<compile_context>
chip_gen: v7x
topology: tpu7x:2x2x1
jax: 0.10.2.dev20260603
libtpu: 0.0.44.dev20260713+nightly
codegen_flags: <defaults>
</compile_context>

<pallas_src>
import functools
import jax
import jax.numpy as jnp
from jax import lax
from jax.experimental import pallas as pl
from jax.experimental.pallas import tpu as pltpu
from jax.experimental.pallas import tpu_sc as plsc

_B, _S, _H = 16, 4096, 768
_MAX_ROWS, _MAX_COLS = 64, 32
_NEG = -10000.0
_EPS = 1e-10

_SCB = 6
_BT = _B - _SCB
_SCB2 = _SCB // 2
_TW = _SCB2 * _S // 16
_CT = 64
_NCH = _TW // _CT
_NW16 = _H // 16
_DMA_ONLY = False


def _finish(acc, mask_ref, bias):
    sums = acc[:, :_MAX_COLS]
    cnts = acc[:, _MAX_COLS:]
    cell_logits = jnp.where(cnts > 0.0,
                            sums / jnp.maximum(cnts, 1.0) + bias, 0.0)
    m = mask_ref[0]
    colsum = jnp.sum(cell_logits * m, axis=0, keepdims=True)
    colcnt = jnp.sum(m, axis=0, keepdims=True)
    col = colsum / (colcnt + _EPS)
    j = jax.lax.broadcasted_iota(jnp.int32, (1, _MAX_COLS), 1)
    pad = jnp.logical_and(colcnt < 0.5, j != 0)
    return (col + _NEG * pad.astype(jnp.float32)
            + _NEG * (j == 0).astype(jnp.float32))


def _seg_acc(z, idx_row, idx_col):
    hi = idx_row >> 5
    lo = idx_col & 31
    oh_hi = (jax.lax.broadcasted_iota(jnp.int32, (_MAX_ROWS, _S), 0)
             == hi).astype(jnp.float32)
    oh_lo = (jax.lax.broadcasted_iota(jnp.int32, (_S, _MAX_COLS), 1)
             == lo).astype(jnp.float32)
    rhs = jnp.concatenate([oh_lo * z, oh_lo], axis=1)
    return jax.lax.dot(oh_hi, rhs, preferred_element_type=jnp.float32)


def _tc_body(x_ref, idxr_ref, idxc_ref, mask_ref, w_ref, b_ref, out_ref):
    x = x_ref[0]
    z = jnp.sum(x * w_ref[...], axis=1, keepdims=True)
    acc = _seg_acc(z, idxr_ref[0], idxc_ref[0])
    out_ref[0] = _finish(acc, mask_ref, b_ref[0, 0])


def _tc_call(inputs, cell_index, cell_mask, w, b):
    nb = inputs.shape[0]
    idx_row = cell_index.reshape(nb, 1, _S)
    idx_col = cell_index.reshape(nb, _S, 1)
    mask = cell_mask.reshape(nb, _MAX_ROWS, _MAX_COLS)
    return pl.pallas_call(
        _tc_body,
        grid=(nb,),
        in_specs=[
            pl.BlockSpec((1, _S, _H), lambda b_: (b_, 0, 0)),
            pl.BlockSpec((1, 1, _S), lambda b_: (b_, 0, 0)),
            pl.BlockSpec((1, _S, 1), lambda b_: (b_, 0, 0)),
            pl.BlockSpec((1, _MAX_ROWS, _MAX_COLS), lambda b_: (b_, 0, 0)),
            pl.BlockSpec((1, _H), lambda b_: (0, 0)),
            pl.BlockSpec(memory_space=pltpu.SMEM),
        ],
        out_specs=pl.BlockSpec((1, 1, _MAX_COLS), lambda b_: (b_, 0, 0)),
        out_shape=jax.ShapeDtypeStruct((nb, 1, _MAX_COLS), jnp.float32),
        compiler_params=pltpu.CompilerParams(
            dimension_semantics=("arbitrary",),
        ),
    )(inputs, idx_row, idx_col, mask, w, b).reshape(nb, _MAX_COLS)


def _tc_fin_body(z_ref, idxr_ref, idxc_ref, mask_ref, b_ref, out_ref):
    z = jnp.sum(z_ref[0], axis=1, keepdims=True)
    acc = _seg_acc(z, idxr_ref[0], idxc_ref[0])
    out_ref[0] = _finish(acc, mask_ref, b_ref[0, 0])


def _tc_fin_call(z, cell_index, cell_mask, b):
    nb = z.shape[0]
    idx_row = cell_index.reshape(nb, 1, _S)
    idx_col = cell_index.reshape(nb, _S, 1)
    mask = cell_mask.reshape(nb, _MAX_ROWS, _MAX_COLS)
    return pl.pallas_call(
        _tc_fin_body,
        grid=(nb,),
        in_specs=[
            pl.BlockSpec((1, _S, 16), lambda b_: (b_, 0, 0)),
            pl.BlockSpec((1, 1, _S), lambda b_: (b_, 0, 0)),
            pl.BlockSpec((1, _S, 1), lambda b_: (b_, 0, 0)),
            pl.BlockSpec((1, _MAX_ROWS, _MAX_COLS), lambda b_: (b_, 0, 0)),
            pl.BlockSpec(memory_space=pltpu.SMEM),
        ],
        out_specs=pl.BlockSpec((1, 1, _MAX_COLS), lambda b_: (b_, 0, 0)),
        out_shape=jax.ShapeDtypeStruct((nb, 1, _MAX_COLS), jnp.float32),
        compiler_params=pltpu.CompilerParams(
            dimension_semantics=("arbitrary",),
        ),
    )(z.reshape(nb, _S, 16), idx_row, idx_col, mask, b).reshape(nb, _MAX_COLS)


def _sc_z_body(x_hbm, w_hbm, out_hbm, xa, xb, wv, zout, sem):
    c = lax.axis_index("c")
    s = lax.axis_index("s")
    g0 = (c * _SCB2 * _S) + s * _TW

    pltpu.sync_copy(w_hbm, wv)

    bufs = [xa, xb]

    def start_chunk(g, buf):
        @pl.when(g < _NCH)
        def _():
            pltpu.make_async_copy(
                x_hbm.at[pl.ds((g0 + g * _CT) * _H, _CT * _H)], buf, sem
            ).start()

    def wait_chunk(buf):
        pltpu.make_async_copy(x_hbm.at[pl.ds(0, _CT * _H)], buf, sem).wait()

    def compute_chunk(g, buf):
        if _DMA_ONLY:
            return
        for half in range(2):
            ws = [wv[pl.ds(16 * (24 * half + i), 16)] for i in range(24)]

            @plsc.parallel_loop(0, _CT, unroll=2)
            def z_token(t, half=half, ws=ws):
                base = t * _H + 16 * 24 * half
                accs = [buf[pl.ds(base + 16 * i, 16)] * ws[i]
                        for i in range(8)]
                for i in range(8, 24):
                    k = i % 8
                    accs[k] = accs[k] + buf[pl.ds(base + 16 * i, 16)] * ws[i]
                while len(accs) > 1:
                    accs = [accs[j] + accs[j + 1]
                            for j in range(0, len(accs), 2)]
                o = pl.ds((g * _CT + t) * 16, 16)
                if half == 0:
                    zout[o] = accs[0]
                else:
                    zout[o] = zout[o] + accs[0]

    start_chunk(jnp.int32(0), xa)
    start_chunk(jnp.int32(1), xb)

    def pair_body(gi, _):
        g = gi * 2
        wait_chunk(xa)
        compute_chunk(g, xa)
        start_chunk(g + 2, xa)
        wait_chunk(xb)
        compute_chunk(g + 1, xb)
        start_chunk(g + 3, xb)
        return 0

    lax.fori_loop(0, _NCH // 2, pair_body, 0)

    pltpu.sync_copy(zout,
                    out_hbm.at[pl.ds((c * _SCB2 * _S + s * _TW) * 16,
                                     _TW * 16)])


def _sc_z_call(x_sc_flat, w):
    mesh = plsc.VectorSubcoreMesh(core_axis_name="c", subcore_axis_name="s")
    kfn = functools.partial(
        pl.kernel,
        mesh=mesh,
        out_type=jax.ShapeDtypeStruct((_SCB * _S * 16,), jnp.float32),
        scratch_types=[
            pltpu.VMEM((_CT * _H,), jnp.float32),
            pltpu.VMEM((_CT * _H,), jnp.float32),
            pltpu.VMEM((_H,), jnp.float32),
            pltpu.VMEM((_TW * 16,), jnp.float32),
            pltpu.SemaphoreType.DMA,
        ],
    )(_sc_z_body)
    return kfn(x_sc_flat, w)


def kernel(inputs, cell_index, cell_mask, column_output_weights,
           column_output_bias):
    w = column_output_weights.reshape(1, _H)
    b = jnp.reshape(column_output_bias, (1, 1)).astype(jnp.float32)

    z_sc = _sc_z_call(inputs[_BT:].reshape(-1), column_output_weights)
    if _DMA_ONLY:
        tc_out = _tc_call(inputs, cell_index, cell_mask, w, b)
        tc_out, _ = lax.optimization_barrier((tc_out, z_sc))
        return tc_out
    tc_out = _tc_call(inputs[:_BT], cell_index[:_BT], cell_mask[:_BT], w, b)
    sc_out = _tc_fin_call(z_sc.reshape(_SCB, _S, 16), cell_index[_BT:],
                          cell_mask[_BT:], b)
    return jnp.concatenate([tc_out, sc_out], axis=0)

# --- scband reference (transcript-rebuilt; emitter-appended) ---
"""Pipeline reference for scband-tapas-72095321030916 (READ-ONLY COPY).

The authoritative reference and input builder live on the scoring server;
editing this copy changes nothing except your own understanding.
"""

import jax, jax.numpy as jnp
import numpy as np

CLOSE_ENOUGH_TO_LOG_ZERO = -10000.0
EPSILON_ZERO_DIVISION = 1e-10
B, S, H = 16, 4096, 768
MAX_ROWS, MAX_COLS = 64, 32
NUM_CELLS = MAX_ROWS * MAX_COLS


def setup_inputs(seed: int = 0) -> dict:
    key = jax.random.key(seed)
    k1, k2, k3 = jax.random.split(key, 3)
    inputs = jax.random.normal(k1, (B, S, H), dtype=jnp.float32)
    cell_index = jnp.sort(jax.random.randint(k2, (B, S), 0, NUM_CELLS), axis=-1).astype(jnp.int32)
    cell_mask = jnp.ones((B, NUM_CELLS), dtype=jnp.float32)
    column_output_weights = jax.random.normal(k3, (H,), dtype=jnp.float32) * 0.02
    column_output_bias = jnp.zeros((), dtype=jnp.float32)
    return {"inputs": inputs, "cell_index": cell_index, "cell_mask": cell_mask,
            "column_output_weights": column_output_weights,
            "column_output_bias": column_output_bias}


def _segment_mean(values, seg_ids, num_segments):
    sums = jax.ops.segment_sum(values, seg_ids, num_segments=num_segments)
    counts = jax.ops.segment_sum(jnp.ones_like(values), seg_ids, num_segments=num_segments)
    return jnp.where(counts > 0, sums / jnp.maximum(counts, 1.0), 0.0)


def reference(inputs, cell_index, cell_mask, column_output_weights, column_output_bias):
    # token logits: einsum('bsj,j->bs') + bias
    token_logits = jnp.einsum('bsj,j->bs', inputs, column_output_weights) + column_output_bias
    batch_off = jnp.arange(B, dtype=jnp.int32)[:, None]
    # segmented_tensor.reduce_mean(token_logits, cell_index)
    flat_cell = (cell_index + batch_off * NUM_CELLS).reshape(-1)
    cell_logits = _segment_mean(token_logits.reshape(-1), flat_cell, B * NUM_CELLS).reshape(B, NUM_CELLS)
    # column_index = cell_index.project_inner(cell_logits_index): cell_id % MAX_COLS
    col_for_cell = (jnp.arange(NUM_CELLS, dtype=jnp.int32) % MAX_COLS)
    flat_col = (jnp.broadcast_to(col_for_cell, (B, NUM_CELLS)) + batch_off * MAX_COLS).reshape(-1)
    masked_cell_logits = cell_logits * cell_mask
    # segmented_tensor.reduce_sum over columns
    column_logits = jax.ops.segment_sum(masked_cell_logits.reshape(-1), flat_col, num_segments=B * MAX_COLS).reshape(B, MAX_COLS)
    cell_count = jax.ops.segment_sum(cell_mask.reshape(-1), flat_col, num_segments=B * MAX_COLS).reshape(B, MAX_COLS)
    column_logits = column_logits / (cell_count + EPSILON_ZERO_DIVISION)
    out_idx = jnp.broadcast_to(jnp.arange(MAX_COLS, dtype=jnp.int32), (B, MAX_COLS))
    is_padding = jnp.logical_and(cell_count < 0.5, jnp.not_equal(out_idx, 0))
    column_logits = column_logits + CLOSE_ENOUGH_TO_LOG_ZERO * is_padding.astype(jnp.float32)
    # allow_empty_column_selection == False
    column_logits = column_logits + CLOSE_ENOUGH_TO_LOG_ZERO * jnp.equal(out_idx, 0).astype(jnp.float32)
    return column_logits

if __name__ == "__main__":
    import jax
    _d = setup_inputs()
    print(jax.jit(kernel)(*tuple(_d.values())))

</pallas_src>

<mosaic_0001>
#map = affine_map<(d0, d1) -> (0)>
module attributes {stable_mosaic.version = 14 : i64} {
  func.func @_sc_z_body(%arg0: i32, %arg1: i32, %arg2: memref<18874368xf32, #tpu.memory_space<hbm>>, %arg3: memref<768xf32, #tpu.memory_space<hbm>>, %arg4: memref<393216xf32, #tpu.memory_space<hbm>>, %arg5: memref<49152xf32, #tpu.memory_space<vmem>>, %arg6: memref<49152xf32, #tpu.memory_space<vmem>>, %arg7: memref<768xf32, #tpu.memory_space<vmem>>, %arg8: memref<12288xf32, #tpu.memory_space<vmem>>, %arg9: memref<!tpu.dma_semaphore, #tpu.memory_space<semaphore_mem>>) attributes {dimension_semantics = [#tpu.dimension_semantics<core_parallel>, #tpu.dimension_semantics<subcore_parallel>], iteration_bounds = array<i64: 2, 16>, scalar_prefetch = 0 : i64, scratch_operands = 5 : i64, tpu.core_type = #tpu.core_type<sc_vector_subcore>, window_params = [{transform_indices = #map}, {transform_indices = #map}, {transform_indices = #map}]} {
    %mul3A = arith.constant 3 : i32
    %mul3A_0 = arith.muli %arg0, %mul3A : i32
    %mul3A_1 = arith.constant 4096 : i32
    %mul3A_2 = arith.muli %mul3A_0, %mul3A_1 : i32
    %mul3A_3 = arith.constant 768 : i32
    %mul3A_4 = arith.muli %arg1, %mul3A_3 : i32
    %add3A = arith.addi %mul3A_2, %mul3A_4 : i32
    "tpu.region"() ({
      %run_scoped3A = tpu.sem_alloc : memref<!tpu.dma_semaphore, #tpu.memory_space<semaphore_mem>>
      tpu.enqueue_dma source(%arg3 : memref<768xf32, #tpu.memory_space<hbm>>) target(%arg7 : memref<768xf32, #tpu.memory_space<vmem>>) target_semaphore(%run_scoped3A : memref<!tpu.dma_semaphore, #tpu.memory_space<semaphore_mem>>)
      tpu.wait_dma2 semaphore(%run_scoped3A : memref<!tpu.dma_semaphore, #tpu.memory_space<semaphore_mem>>) src(%arg3 : memref<768xf32, #tpu.memory_space<hbm>>) dst(%arg7 : memref<768xf32, #tpu.memory_space<vmem>>)
      tpu.yield
    }) : () -> ()
    %lt3A = arith.constant 0 : i32
    %lt3A_5 = arith.constant 12 : i32
    %lt3A_6 = arith.cmpi slt, %lt3A, %lt3A_5 : i32
    %convert_element_type3A = arith.extui %lt3A_6 : i1 to i32
    %cond3A = arith.constant 0 : i32
    %cond3A_7 = arith.constant 0 : i32
    %cond3A_8 = arith.cmpi ne, %convert_element_type3A, %cond3A_7 : i32
    scf.if %cond3A_8 {
      %mul3A_31 = arith.constant 64 : i32
      %mul3A_32 = arith.muli %cond3A, %mul3A_31 : i32
      %add3A_33 = arith.addi %add3A, %mul3A_32 : i32
      %mul3A_34 = arith.constant 768 : i32
      %mul3A_35 = arith.muli %add3A_33, %mul3A_34 : i32
      %dma_start3A = tpu.memref_slice %arg2[%mul3A_35] : memref<18874368xf32, #tpu.memory_space<hbm>> -> memref<49152xf32, #tpu.memory_space<hbm>>
      %dma_start3A_36 = tpu.memref_slice %arg2[%mul3A_35] : memref<18874368xf32, #tpu.memory_space<hbm>> -> memref<49152xf32, #tpu.memory_space<hbm>>
      tpu.enqueue_dma source(%dma_start3A_36 : memref<49152xf32, #tpu.memory_space<hbm>>) target(%arg5 : memref<49152xf32, #tpu.memory_space<vmem>>) target_semaphore(%arg9 : memref<!tpu.dma_semaphore, #tpu.memory_space<semaphore_mem>>)
    } else {
    }
    %lt3A_9 = arith.constant 1 : i32
    %lt3A_10 = arith.constant 12 : i32
    %lt3A_11 = arith.cmpi slt, %lt3A_9, %lt3A_10 : i32
    %convert_element_type3A_12 = arith.extui %lt3A_11 : i1 to i32
    %cond3A_13 = arith.constant 1 : i32
    %cond3A_14 = arith.constant 0 : i32
    %cond3A_15 = arith.cmpi ne, %convert_element_type3A_12, %cond3A_14 : i32
    scf.if %cond3A_15 {
      %mul3A_31 = arith.constant 64 : i32
      %mul3A_32 = arith.muli %cond3A_13, %mul3A_31 : i32
      %add3A_33 = arith.addi %add3A, %mul3A_32 : i32
      %mul3A_34 = arith.constant 768 : i32
      %mul3A_35 = arith.muli %add3A_33, %mul3A_34 : i32
      %dma_start3A = tpu.memref_slice %arg2[%mul3A_35] : memref<18874368xf32, #tpu.memory_space<hbm>> -> memref<49152xf32, #tpu.memory_space<hbm>>
      %dma_start3A_36 = tpu.memref_slice %arg2[%mul3A_35] : memref<18874368xf32, #tpu.memory_space<hbm>> -> memref<49152xf32, #tpu.memory_space<hbm>>
      tpu.enqueue_dma source(%dma_start3A_36 : memref<49152xf32, #tpu.memory_space<hbm>>) target(%arg6 : memref<49152xf32, #tpu.memory_space<vmem>>) target_semaphore(%arg9 : memref<!tpu.dma_semaphore, #tpu.memory_space<semaphore_mem>>)
    } else {
    }
    %scan3A = arith.constant 0 : i32
    %scan3A_16 = arith.constant 0 : i32
    %scan3A_17 = arith.constant 6 : i32
    %scan3A_18 = arith.addi %scan3A_16, %scan3A_17 : i32
    %scan3A_19 = arith.constant 1 : i32
    %scan3A_20 = scf.for %scan3A_31 = %scan3A_16 to %scan3A_18 step %scan3A_19 iter_args(%scan3A_32 = %scan3A) -> (i32)  : i32 {
      %mul3A_33 = arith.constant 2 : i32
      %mul3A_34 = arith.muli %scan3A_31, %mul3A_33 : i32
      %dma_wait3A = arith.constant 0 : i32
      %dma_wait3A_35 = tpu.memref_slice %arg2[%dma_wait3A] : memref<18874368xf32, #tpu.memory_space<hbm>> -> memref<49152xf32, #tpu.memory_space<hbm>>
      %dma_wait3A_36 = arith.constant 0 : i32
      %dma_wait3A_37 = tpu.memref_slice %arg2[%dma_wait3A_36] : memref<18874368xf32, #tpu.memory_space<hbm>> -> memref<49152xf32, #tpu.memory_space<hbm>>
      tpu.wait_dma2 semaphore(%arg9 : memref<!tpu.dma_semaphore, #tpu.memory_space<semaphore_mem>>) src(%dma_wait3A_37 : memref<49152xf32, #tpu.memory_space<hbm>>) dst(%arg5 : memref<49152xf32, #tpu.memory_space<vmem>>)
      %get3A = arith.constant 0 : index
      %get3A_38 = tpu.vector_load %arg7[%get3A] {strides = array<i32>} : memref<768xf32, #tpu.memory_space<vmem>>, vector<16xf32>,
      %get3A_39 = vector.shape_cast %get3A_38 : vector<16xf32> to vector<16xf32>
      %get3A_40 = arith.constant 16 : index
      %get3A_41 = tpu.vector_load %arg7[%get3A_40] {strides = array<i32>} : memref<768xf32, #tpu.memory_space<vmem>>, vector<16xf32>,
      %get3A_42 = vector.shape_cast %get3A_41 : vector<16xf32> to vector<16xf32>
      %get3A_43 = arith.constant 32 : index
      %get3A_44 = tpu.vector_load %arg7[%get3A_43] {strides = array<i32>} : memref<768xf32, #tpu.memory_space<vmem>>, vector<16xf32>,
      %get3A_45 = vector.shape_cast %get3A_44 : vector<16xf32> to vector<16xf32>
      %get3A_46 = arith.constant 48 : index
      %get3A_47 = tpu.vector_load %arg7[%get3A_46] {strides = array<i32>} : memref<768xf32, #tpu.memory_space<vmem>>, vector<16xf32>,
      %get3A_48 = vector.shape_cast %get3A_47 : vector<16xf32> to vector<16xf32>
      %get3A_49 = arith.constant 64 : index
      %get3A_50 = tpu.vector_load %arg7[%get3A_49] {strides = array<i32>} : memref<768xf32, #tpu.memory_space<vmem>>, vector<16xf32>,
      %get3A_51 = vector.shape_cast %get3A_50 : vector<16xf32> to vector<16xf32>
      %get3A_52 = arith.constant 80 : index
      %get3A_53 = tpu.vector_load %arg7[%get3A_52] {strides = array<i32>} : memref<768xf32, #tpu.memory_space<vmem>>, vector<16xf32>,
      %get3A_54 = vector.shape_cast %get3A_53 : vector<16xf32> to vector<16xf32>
      %get3A_55 = arith.constant 96 : index
      %get3A_56 = tpu.vector_load %arg7[%get3A_55] {strides = array<i32>} : memref<768xf32, #tpu.memory_space<vmem>>, vector<16xf32>,
      %get3A_57 = vector.shape_cast %get3A_56 : vector<16xf32> to vector<16xf32>
      %get3A_58 = arith.constant 112 : index
      %get3A_59 = tpu.vector_load %arg7[%get3A_58] {strides = array<i32>} : memref<768xf32, #tpu.memory_space<vmem>>, vector<16xf32>,
      %get3A_60 = vector.shape_cast %get3A_59 : vector<16xf32> to vector<16xf32>
      %get3A_61 = arith.constant 128 : index
      %get3A_62 = tpu.vector_load %arg7[%get3A_61] {strides = array<i32>} : memref<768xf32, #tpu.memory_space<vmem>>, vector<16xf32>,
      %get3A_63 = vector.shape_cast %get3A_62 : vector<16xf32> to vector<16xf32>
      %get3A_64 = arith.constant 144 : index
      %get3A_65 = tpu.vector_load %arg7[%get3A_64] {strides = array<i32>} : memref<768xf32, #tpu.memory_space<vmem>>, vector<16xf32>,
      %get3A_66 = vector.shape_cast %get3A_65 : vector<16xf32> to vector<16xf32>
      %get3A_67 = arith.constant 160 : index
      %get3A_68 = tpu.vector_load %arg7[%get3A_67] {strides = array<i32>} : memref<768xf32, #tpu.memory_space<vmem>>, vector<16xf32>,
      %get3A_69 = vector.shape_cast %get3A_68 : vector<16xf32> to vector<16xf32>
      %get3A_70 = arith.constant 176 : index
      %get3A_71 = tpu.vector_load %arg7[%get3A_70] {strides = array<i32>} : memref<768xf32, #tpu.memory_space<vmem>>, vector<16xf32>,
      %get3A_72 = vector.shape_cast %get3A_71 : vector<16xf32> to vector<16xf32>
      %get3A_73 = arith.constant 192 : index
      %get3A_74 = tpu.vector_load %arg7[%get3A_73] {strides = array<i32>} : memref<768xf32, #tpu.memory_space<vmem>>, vector<16xf32>,
      %get3A_75 = vector.shape_cast %get3A_74 : vector<16xf32> to vector<16xf32>
      %get3A_76 = arith.constant 208 : index
      %get3A_77 = tpu.vector_load %arg7[%get3A_76] {strides = array<i32>} : memref<768xf32, #tpu.memory_space<vmem>>, vector<16xf32>,
      %get3A_78 = vector.shape_cast %get3A_77 : vector<16xf32> to vector<16xf32>
      %get3A_79 = arith.constant 224 : index
      %get3A_80 = tpu.vector_load %arg7[%get3A_79] {strides = array<i32>} : memref<768xf32, #tpu.memory_space<vmem>>, vector<16xf32>,
      %get3A_81 = vector.shape_cast %get3A_80 : vector<16xf32> to vector<16xf32>
      %get3A_82 = arith.constant 240 : index
      %get3A_83 = tpu.vector_load %arg7[%get3A_82] {strides = array<i32>} : memref<768xf32, #tpu.memory_space<vmem>>, vector<16xf32>,
      %get3A_84 = vector.shape_cast %get3A_83 : vector<16xf32> to vector<16xf32>
      %get3A_85 = arith.constant 256 : index
      %get3A_86 = tpu.vector_load %arg7[%get3A_85] {strides = array<i32>} : memref<768xf32, #tpu.memory_space<vmem>>, vector<16xf32>,
      %get3A_87 = vector.shape_cast %get3A_86 : vector<16xf32> to vector<16xf32>
      %get3A_88 = arith.constant 272 : index
      %get3A_89 = tpu.vector_load %arg7[%get3A_88] {strides = array<i32>} : memref<768xf32, #tpu.memory_space<vmem>>, vector<16xf32>,
      %get3A_90 = vector.shape_cast %get3A_89 : vector<16xf32> to vector<16xf32>
      %get3A_91 = arith.constant 288 : index
      %get3A_92 = tpu.vector_load %arg7[%get3A_91] {strides = array<i32>} : memref<768xf32, #tpu.memory_space<vmem>>, vector<16xf32>,
      %get3A_93 = vector.shape_cast %get3A_92 : vector<16xf32> to vector<16xf32>
      %get3A_94 = arith.constant 304 : index
      %get3A_95 = tpu.vector_load %arg7[%get3A_94] {strides = array<i32>} : memref<768xf32, #tpu.memory_space<vmem>>, vector<16xf32>,
      %get3A_96 = vector.shape_cast %get3A_95 : vector<16xf32> to vector<16xf32>
      %get3A_97 = arith.constant 320 : index
      %get3A_98 = tpu.vector_load %arg7[%get3A_97] {strides = array<i32>} : memref<768xf32, #tpu.memory_space<vmem>>, vector<16xf32>,
      %get3A_99 = vector.shape_cast %get3A_98 : vector<16xf32> to vector<16xf32>
      %get3A_100 = arith.constant 336 : index
      %get3A_101 = tpu.vector_load %arg7[%get3A_100] {strides = array<i32>} : memref<768xf32, #tpu.memory_space<vmem>>, vector<16xf32>,
      %get3A_102 = vector.shape_cast %get3A_101 : vector<16xf32> to vector<16xf32>
      %get3A_103 = arith.constant 352 : index
      %get3A_104 = tpu.vector_load %arg7[%get3A_103] {strides = array<i32>} : memref<768xf32, #tpu.memory_space<vmem>>, vector<16xf32>,
      %get3A_105 = vector.shape_cast %get3A_104 : vector<16xf32> to vector<16xf32>
      %get3A_106 = arith.constant 368 : index
      %get3A_107 = tpu.vector_load %arg7[%get3A_106] {strides = array<i32>} : memref<768xf32, #tpu.memory_space<vmem>>, vector<16xf32>,
      %get3A_108 = vector.shape_cast %get3A_107 : vector<16xf32> to vector<16xf32>
      %parallel_loop3A = arith.constant 0 : i32
      %parallel_loop3A_109 = arith.constant 64 : i32
      %parallel_loop3A_110 = arith.constant 1 : i32
      scf.for %parallel_loop3A_357 = %parallel_loop3A to %parallel_loop3A_109 step %parallel_loop3A_110  : i32 {
        %parallel_loop3A_358 = arith.constant 768 : i32
        %parallel_loop3A_359 = arith.muli %parallel_loop3A_357, %parallel_loop3A_358 : i32
        %parallel_loop3A_360 = arith.constant 0 : i32
        %parallel_loop3A_361 = arith.addi %parallel_loop3A_359, %parallel_loop3A_360 : i32
        %parallel_loop3A_362 = arith.constant 0 : i32
        %parallel_loop3A_363 = arith.addi %parallel_loop3A_361, %parallel_loop3A_362 : i32
        %parallel_loop3A_364 = arith.index_cast %parallel_loop3A_363 : i32 to index
        %parallel_loop3A_365 = tpu.vector_load %arg5[%parallel_loop3A_364] {strides = array<i32>} : memref<49152xf32, #tpu.memory_space<vmem>>, vector<16xf32>,
        %parallel_loop3A_366 = vector.shape_cast %parallel_loop3A_365 : vector<16xf32> to vector<16xf32>
        %parallel_loop3A_367 = arith.mulf %parallel_loop3A_366, %get3A_39 : vector<16xf32>
        %parallel_loop3A_368 = arith.constant 16 : i32
        %parallel_loop3A_369 = arith.addi %parallel_loop3A_361, %parallel_loop3A_368 : i32
        %parallel_loop3A_370 = arith.index_cast %parallel_loop3A_369 : i32 to index
        %parallel_loop3A_371 = tpu.vector_load %arg5[%parallel_loop3A_370] {strides = array<i32>} : memref<49152xf32, #tpu.memory_space<vmem>>, vector<16xf32>,
        %parallel_loop3A_372 = vector.shape_cast %parallel_loop3A_371 : vector<16xf32> to vector<16xf32>
        %parallel_loop3A_373 = arith.mulf %parallel_loop3A_372, %get3A_42 : vector<16xf32>
        %parallel_loop3A_374 = arith.constant 32 : i32
        %parallel_loop3A_375 = arith.addi %parallel_loop3A_361, %parallel_loop3A_374 : i32
        %parallel_loop3A_376 = arith.index_cast %parallel_loop3A_375 : i32 to index
        %parallel_loop3A_377 = tpu.vector_load %arg5[%parallel_loop3A_376] {strides = array<i32>} : memref<49152xf32, #tpu.memory_space<vmem>>, vector<16xf32>,
        %parallel_loop3A_378 = vector.shape_cast %parallel_loop3A_377 : vector<16xf32> to vector<16xf32>
        %parallel_loop3A_379 = arith.mulf %parallel_loop3A_378, %get3A_45 : vector<16xf32>
        %parallel_loop3A_380 = arith.constant 48 : i32
        %parallel_loop3A_381 = arith.addi %parallel_loop3A_361, %parallel_loop3A_380 : i32
        %parallel_loop3A_382 = arith.index_cast %parallel_loop3A_381 : i32 to index
        %parallel_loop3A_383 = tpu.vector_load %arg5[%parallel_loop3A_382] {strides = array<i32>} : memref<49152xf32, #tpu.memory_space<vmem>>, vector<16xf32>,
        %parallel_loop3A_384 = vector.shape_cast %parallel_loop3A_383 : vector<16xf32> to vector<16xf32>
        %parallel_loop3A_385 = arith.mulf %parallel_loop3A_384, %get3A_48 : vector<16xf32>
        %parallel_loop3A_386 = arith.constant 64 : i32
        %parallel_loop3A_387 = arith.addi %parallel_loop3A_361, %parallel_loop3A_386 : i32
        %parallel_loop3A_388 = arith.index_cast %parallel_loop3A_387 : i32 to index
        %parallel_loop3A_389 = tpu.vector_load %arg5[%parallel_loop3A_388] {strides = array<i32>} : memref<49152xf32, #tpu.memory_space<vmem>>, vector<16xf32>,
        %parallel_loop3A_390 = vector.shape_cast %parallel_loop3A_389 : vector<16xf32> to vector<16xf32>
        %parallel_loop3A_391 = arith.mulf %parallel_loop3A_390, %get3A_51 : vector<16xf32>
        %parallel_loop3A_392 = arith.constant 80 : i32
        %parallel_loop3A_393 = arith.addi %parallel_loop3A_361, %parallel_loop3A_392 : i32
        %parallel_loop3A_394 = arith.index_cast %parallel_loop3A_393 : i32 to index
        %parallel_loop3A_395 = tpu.vector_load %arg5[%parallel_loop3A_394] {strides = array<i32>} : memref<49152xf32, #tpu.memory_space<vmem>>, vector<16xf32>,
        %parallel_loop3A_396 = vector.shape_cast %parallel_loop3A_395 : vector<16xf32> to vector<16xf32>
        %parallel_loop3A_397 = arith.mulf %parallel_loop3A_396, %get3A_54 : vector<16xf32>
        %parallel_loop3A_398 = arith.constant 96 : i32
        %parallel_loop3A_399 = arith.addi %parallel_loop3A_361, %parallel_loop3A_398 : i32
        %parallel_loop3A_400 = arith.index_cast %parallel_loop3A_399 : i32 to index
        %parallel_loop3A_401 = tpu.vector_load %arg5[%parallel_loop3A_400] {strides = array<i32>} : memref<49152xf32, #tpu.memory_space<vmem>>, vector<16xf32>,
        %parallel_loop3A_402 = vector.shape_cast %parallel_loop3A_401 : vector<16xf32> to vector<16xf32>
        %parallel_loop3A_403 = arith.mulf %parallel_loop3A_402, %get3A_57 : vector<16xf32>
        %parallel_loop3A_404 = arith.constant 112 : i32
        %parallel_loop3A_405 = arith.addi %parallel_loop3A_361, %parallel_loop3A_404 : i32
        %parallel_loop3A_406 = arith.index_cast %parallel_loop3A_405 : i32 to index
        %parallel_loop3A_407 = tpu.vector_load %arg5[%parallel_loop3A_406] {strides = array<i32>} : memref<49152xf32, #tpu.memory_space<vmem>>, vector<16xf32>,
        %parallel_loop3A_408 = vector.shape_cast %parallel_loop3A_407 : vector<16xf32> to vector<16xf32>
        %parallel_loop3A_409 = arith.mulf %parallel_loop3A_408, %get3A_60 : vector<16xf32>
        %parallel_loop3A_410 = arith.constant 128 : i32
        %parallel_loop3A_411 = arith.addi %parallel_loop3A_361, %parallel_loop3A_410 : i32
        %parallel_loop3A_412 = arith.index_cast %parallel_loop3A_411 : i32 to index
        %parallel_loop3A_413 = tpu.vector_load %arg5[%parallel_loop3A_412] {strides = array<i32>} : memref<49152xf32, #tpu.memory_space<vmem>>, vector<16xf32>,
        %parallel_loop3A_414 = vector.shape_cast %parallel_loop3A_413 : vector<16xf32> to vector<16xf32>
        %parallel_loop3A_415 = arith.mulf %parallel_loop3A_414, %get3A_63 : vector<16xf32>
        %parallel_loop3A_416 = arith.addf %parallel_loop3A_367, %parallel_loop3A_415 : vector<16xf32>
        %parallel_loop3A_417 = arith.constant 144 : i32
        %parallel_loop3A_418 = arith.addi %parallel_loop3A_361, %parallel_loop3A_417 : i32
        %parallel_loop3A_419 = arith.index_cast %parallel_loop3A_418 : i32 to index
        %parallel_loop3A_420 = tpu.vector_load %arg5[%parallel_loop3A_419] {strides = array<i32>} : memref<49152xf32, #tpu.memory_space<vmem>>, vector<16xf32>,
        %parallel_loop3A_421 = vector.shape_cast %parallel_loop3A_420 : vector<16xf32> to vector<16xf32>
        %parallel_loop3A_422 = arith.mulf %parallel_loop3A_421, %get3A_66 : vector<16xf32>
        %parallel_loop3A_423 = arith.addf %parallel_loop3A_373, %parallel_loop3A_422 : vector<16xf32>
        %parallel_loop3A_424 = arith.constant 160 : i32
        %parallel_loop3A_425 = arith.addi %parallel_loop3A_361, %parallel_loop3A_424 : i32
        %parallel_loop3A_426 = arith.index_cast %parallel_loop3A_425 : i32 to index
        %parallel_loop3A_427 = tpu.vector_load %arg5[%parallel_loop3A_426] {strides = array<i32>} : memref<49152xf32, #tpu.memory_space<vmem>>, vector<16xf32>,
        %parallel_loop3A_428 = vector.shape_cast %parallel_loop3A_427 : vector<16xf32> to vector<16xf32>
        %parallel_loop3A_429 = arith.mulf %parallel_loop3A_428, %get3A_69 : vector<16xf32>
        %parallel_loop3A_430 = arith.addf %parallel_loop3A_379, %parallel_loop3A_429 : vector<16xf32>
        %parallel_loop3A_431 = arith.constant 176 : i32
        %parallel_loop3A_432 = arith.addi %parallel_loop3A_361, %parallel_loop3A_431 : i32
        %parallel_loop3A_433 = arith.index_cast %parallel_loop3A_432 : i32 to index
        %parallel_loop3A_434 = tpu.vector_load %arg5[%parallel_loop3A_433] {strides = array<i32>} : memref<49152xf32, #tpu.memory_space<vmem>>, vector<16xf32>,
        %parallel_loop3A_435 = vector.shape_cast %parallel_loop3A_434 : vector<16xf32> to vector<16xf32>
        %parallel_loop3A_436 = arith.mulf %parallel_loop3A_435, %get3A_72 : vector<16xf32>
        %parallel_loop3A_437 = arith.addf %parallel_loop3A_385, %parallel_loop3A_436 : vector<16xf32>
        %parallel_loop3A_438 = arith.constant 192 : i32
        %parallel_loop3A_439 = arith.addi %parallel_loop3A_361, %parallel_loop3A_438 : i32
        %parallel_loop3A_440 = arith.index_cast %parallel_loop3A_439 : i32 to index
        %parallel_loop3A_441 = tpu.vector_load %arg5[%parallel_loop3A_440] {strides = array<i32>} : memref<49152xf32, #tpu.memory_space<vmem>>, vector<16xf32>,
        %parallel_loop3A_442 = vector.shape_cast %parallel_loop3A_441 : vector<16xf32> to vector<16xf32>
        %parallel_loop3A_443 = arith.mulf %parallel_loop3A_442, %get3A_75 : vector<16xf32>
        %parallel_loop3A_444 = arith.addf %parallel_loop3A_391, %parallel_loop3A_443 : vector<16xf32>
        %parallel_loop3A_445 = arith.constant 208 : i32
        %parallel_loop3A_446 = arith.addi %parallel_loop3A_361, %parallel_loop3A_445 : i32
        %parallel_loop3A_447 = arith.index_cast %parallel_loop3A_446 : i32 to index
        %parallel_loop3A_448 = tpu.vector_load %arg5[%parallel_loop3A_447] {strides = array<i32>} : memref<49152xf32, #tpu.memory_space<vmem>>, vector<16xf32>,
        %parallel_loop3A_449 = vector.shape_cast %parallel_loop3A_448 : vector<16xf32> to vector<16xf32>
        %parallel_loop3A_450 = arith.mulf %parallel_loop3A_449, %get3A_78 : vector<16xf32>
        %parallel_loop3A_451 = arith.addf %parallel_loop3A_397, %parallel_loop3A_450 : vector<16xf32>
        %parallel_loop3A_452 = arith.constant 224 : i32
        %parallel_loop3A_453 = arith.addi %parallel_loop3A_361, %parallel_loop3A_452 : i32
        %parallel_loop3A_454 = arith.index_cast %parallel_loop3A_453 : i32 to index
        %parallel_loop3A_455 = tpu.vector_load %arg5[%parallel_loop3A_454] {strides = array<i32>} : memref<49152xf32, #tpu.memory_space<vmem>>, vector<16xf32>,
        %parallel_loop3A_456 = vector.shape_cast %parallel_loop3A_455 : vector<16xf32> to vector<16xf32>
        %parallel_loop3A_457 = arith.mulf %parallel_loop3A_456, %get3A_81 : vector<16xf32>
        %parallel_loop3A_458 = arith.addf %parallel_loop3A_403, %parallel_loop3A_457 : vector<16xf32>
        %parallel_loop3A_459 = arith.constant 240 : i32
        %parallel_loop3A_460 = arith.addi %parallel_loop3A_361, %parallel_loop3A_459 : i32
        %parallel_loop3A_461 = arith.index_cast %parallel_loop3A_460 : i32 to index
        %parallel_loop3A_462 = tpu.vector_load %arg5[%parallel_loop3A_461] {strides = array<i32>} : memref<49152xf32, #tpu.memory_space<vmem>>, vector<16xf32>,
        %parallel_loop3A_463 = vector.shape_cast %parallel_loop3A_462 : vector<16xf32> to vector<16xf32>
        %parallel_loop3A_464 = arith.mulf %parallel_loop3A_463, %get3A_84 : vector<16xf32>
        %parallel_loop3A_465 = arith.addf %parallel_loop3A_409, %parallel_loop3A_464 : vector<16xf32>
        %parallel_loop3A_466 = arith.constant 256 : i32
        %parallel_loop3A_467 = arith.addi %parallel_loop3A_361, %parallel_loop3A_466 : i32
        %parallel_loop3A_468 = arith.index_cast %parallel_loop3A_467 : i32 to index
        %parallel_loop3A_469 = tpu.vector_load %arg5[%parallel_loop3A_468] {strides = array<i32>} : memref<49152xf32, #tpu.memory_space<vmem>>, vector<16xf32>,
        %parallel_loop3A_470 = vector.shape_cast %parallel_loop3A_469 : vector<16xf32> to vector<16xf32>
        %parallel_loop3A_471 = arith.mulf %parallel_loop3A_470, %get3A_87 : vector<16xf32>
        %parallel_loop3A_472 = arith.addf %parallel_loop3A_416, %parallel_loop3A_471 : vector<16xf32>
        %parallel_loop3A_473 = arith.constant 272 : i32
        %parallel_loop3A_474 = arith.addi %parallel_loop3A_361, %parallel_loop3A_473 : i32
        %parallel_loop3A_475 = arith.index_cast %parallel_loop3A_474 : i32 to index
        %parallel_loop3A_476 = tpu.vector_load %arg5[%parallel_loop3A_475] {strides = array<i32>} : memref<49152xf32, #tpu.memory_space<vmem>>, vector<16xf32>,
        %parallel_loop3A_477 = vector.shape_cast %parallel_loop3A_476 : vector<16xf32> to vector<16xf32>
        %parallel_loop3A_478 = arith.mulf %parallel_loop3A_477, %get3A_90 : vector<16xf32>
        %parallel_loop3A_479 = arith.addf %parallel_loop3A_423, %parallel_loop3A_478 : vector<16xf32>
        %parallel_loop3A_480 = arith.constant 288 : i32
        %parallel_loop3A_481 = arith.addi %parallel_loop3A_361, %parallel_loop3A_480 : i32
        %parallel_loop3A_482 = arith.index_cast %parallel_loop3A_481 : i32 to index
        %parallel_loop3A_483 = tpu.vector_load %arg5[%parallel_loop3A_482] {strides = array<i32>} : memref<49152xf32, #tpu.memory_space<vmem>>, vector<16xf32>,
        %parallel_loop3A_484 = vector.shape_cast %parallel_loop3A_483 : vector<16xf32> to vector<16xf32>
        %parallel_loop3A_485 = arith.mulf %parallel_loop3A_484, %get3A_93 : vector<16xf32>
        %parallel_loop3A_486 = arith.addf %parallel_loop3A_430, %parallel_loop3A_485 : vector<16xf32>
        %parallel_loop3A_487 = arith.constant 304 : i32
        %parallel_loop3A_488 = arith.addi %parallel_loop3A_361, %parallel_loop3A_487 : i32
        %parallel_loop3A_489 = arith.index_cast %parallel_loop3A_488 : i32 to index
        %parallel_loop3A_490 = tpu.vector_load %arg5[%parallel_loop3A_489] {strides = array<i32>} : memref<49152xf32, #tpu.memory_space<vmem>>, vector<16xf32>,
        %parallel_loop3A_491 = vector.shape_cast %parallel_loop3A_490 : vector<16xf32> to vector<16xf32>
        %parallel_loop3A_492 = arith.mulf %parallel_loop3A_491, %get3A_96 : vector<16xf32>
        %parallel_loop3A_493 = arith.addf %parallel_loop3A_437, %parallel_loop3A_492 : vector<16xf32>
        %parallel_loop3A_494 = arith.constant 320 : i32
        %parallel_loop3A_495 = arith.addi %parallel_loop3A_361, %parallel_loop3A_494 : i32
        %parallel_loop3A_496 = arith.index_cast %parallel_loop3A_495 : i32 to index
        %parallel_loop3A_497 = tpu.vector_load %arg5[%parallel_loop3A_496] {strides = array<i32>} : memref<49152xf32, #tpu.memory_space<vmem>>, vector<16xf32>,
        %parallel_loop3A_498 = vector.shape_cast %parallel_loop3A_497 : vector<16xf32> to vector<16xf32>
        %parallel_loop3A_499 = arith.mulf %parallel_loop3A_498, %get3A_99 : vector<16xf32>
        %parallel_loop3A_500 = arith.addf %parallel_loop3A_444, %parallel_loop3A_499 : vector<16xf32>
        %parallel_loop3A_501 = arith.constant 336 : i32
        %parallel_loop3A_502 = arith.addi %parallel_loop3A_361, %parallel_loop3A_501 : i32
        %parallel_loop3A_503 = arith.index_cast %parallel_loop3A_502 : i32 to index
        %parallel_loop3A_504 = tpu.vector_load %arg5[%parallel_loop3A_503] {strides = array<i32>} : memref<49152xf32, #tpu.memory_space<vmem>>, vector<16xf32>,
        %parallel_loop3A_505 = vector.shape_cast %parallel_loop3A_504 : vector<16xf32> to vector<16xf32>
        %parallel_loop3A_506 = arith.mulf %parallel_loop3A_505, %get3A_102 : vector<16xf32>
        %parallel_loop3A_507 = arith.addf %parallel_loop3A_451, %parallel_loop3A_506 : vector<16xf32>
        %parallel_loop3A_508 = arith.constant 352 : i32
        %parallel_loop3A_509 = arith.addi %parallel_loop3A_361, %parallel_loop3A_508 : i32
        %parallel_loop3A_510 = arith.index_cast %parallel_loop3A_509 : i32 to index
        %parallel_loop3A_511 = tpu.vector_load %arg5[%parallel_loop3A_510] {strides = array<i32>} : memref<49152xf32, #tpu.memory_space<vmem>>, vector<16xf32>,
        %parallel_loop3A_512 = vector.shape_cast %parallel_loop3A_511 : vector<16xf32> to vector<16xf32>
        %parallel_loop3A_513 = arith.mulf %parallel_loop3A_512, %get3A_105 : vector<16xf32>
        %parallel_loop3A_514 = arith.addf %parallel_loop3A_458, %parallel_loop3A_513 : vector<16xf32>
        %parallel_loop3A_515 = arith.constant 368 : i32
        %parallel_loop3A_516 = arith.addi %parallel_loop3A_361, %parallel_loop3A_515 : i32
        %parallel_loop3A_517 = arith.index_cast %parallel_loop3A_516 : i32 to index
        %parallel_loop3A_518 = tpu.vector_load %arg5[%parallel_loop3A_517] {strides = array<i32>} : memref<49152xf32, #tpu.memory_space<vmem>>, vector<16xf32>,
        %parallel_loop3A_519 = vector.shape_cast %parallel_loop3A_518 : vector<16xf32> to vector<16xf32>
        %parallel_loop3A_520 = arith.mulf %parallel_loop3A_519, %get3A_108 : vector<16xf32>
        %parallel_loop3A_521 = arith.addf %parallel_loop3A_465, %parallel_loop3A_520 : vector<16xf32>
        %parallel_loop3A_522 = arith.addf %parallel_loop3A_472, %parallel_loop3A_479 : vector<16xf32>
        %parallel_loop3A_523 = arith.addf %parallel_loop3A_486, %parallel_loop3A_493 : vector<16xf32>
        %parallel_loop3A_524 = arith.addf %parallel_loop3A_500, %parallel_loop3A_507 : vector<16xf32>
        %parallel_loop3A_525 = arith.addf %parallel_loop3A_514, %parallel_loop3A_521 : vector<16xf32>
        %parallel_loop3A_526 = arith.addf %parallel_loop3A_522, %parallel_loop3A_523 : vector<16xf32>
        %parallel_loop3A_527 = arith.addf %parallel_loop3A_524, %parallel_loop3A_525 : vector<16xf32>
        %parallel_loop3A_528 = arith.addf %parallel_loop3A_526, %parallel_loop3A_527 : vector<16xf32>
        %parallel_loop3A_529 = arith.constant 64 : i32
        %parallel_loop3A_530 = arith.muli %mul3A_34, %parallel_loop3A_529 : i32
        %parallel_loop3A_531 = arith.addi %parallel_loop3A_530, %parallel_loop3A_357 : i32
        %parallel_loop3A_532 = arith.constant 16 : i32
        %parallel_loop3A_533 = arith.muli %parallel_loop3A_531, %parallel_loop3A_532 : i32
        %parallel_loop3A_534 = arith.index_cast %parallel_loop3A_533 : i32 to index
        %parallel_loop3A_535 = tpu.vector_load %arg8[%parallel_loop3A_534] {strides = array<i32>} : memref<12288xf32, #tpu.memory_space<vmem>>, vector<16xf32>,
        %parallel_loop3A_536 = vector.shape_cast %parallel_loop3A_535 : vector<16xf32> to vector<16xf32>
        %parallel_loop3A_537 = vector.shape_cast %parallel_loop3A_528 : vector<16xf32> to vector<16xf32>
        tpu.vector_store %arg8[%parallel_loop3A_534], %parallel_loop3A_537 {strides = array<i32>} : memref<12288xf32, #tpu.memory_space<vmem>>, vector<16xf32>,
      } {sc.loop_unroll_factor = 2 : i64, sc.parallel_access}
      %get3A_111 = arith.constant 384 : index
      %get3A_112 = tpu.vector_load %arg7[%get3A_111] {strides = array<i32>} : memref<768xf32, #tpu.memory_space<vmem>>, vector<16xf32>,
      %get3A_113 = vector.shape_cast %get3A_112 : vector<16xf32> to vector<16xf32>
      %get3A_114 = arith.constant 400 : index
      %get3A_115 = tpu.vector_load %arg7[%get3A_114] {strides = array<i32>} : memref<768xf32, #tpu.memory_space<vmem>>, vector<16xf32>,
      %get3A_116 = vector.shape_cast %get3A_115 : vector<16xf32> to vector<16xf32>
      %get3A_117 = arith.constant 416 : index
      %get3A_118 = tpu.vector_load %arg7[%get3A_117] {strides = array<i32>} : memref<768xf32, #tpu.memory_space<vmem>>, vector<16xf32>,
      %get3A_119 = vector.shape_cast %get3A_118 : vector<16xf32> to vector<16xf32>
      %get3A_120 = arith.constant 432 : index
      %get3A_121 = tpu.vector_load %arg7[%get3A_120] {strides = array<i32>} : memref<768xf32, #tpu.memory_space<vmem>>, vector<16xf32>,
      %get3A_122 = vector.shape_cast %get3A_121 : vector<16xf32> to vector<16xf32>
      %get3A_123 = arith.constant 448 : index
      %get3A_124 = tpu.vector_load %arg7[%get3A_123] {strides = array<i32>} : memref<768xf32, #tpu.memory_space<vmem>>, vector<16xf32>,
      %get3A_125 = vector.shape_cast %get3A_124 : vector<16xf32> to vector<16xf32>
      %get3A_126 = arith.constant 464 : index
      %get3A_127 = tpu.vector_load %arg7[%get3A_126] {strides = array<i32>} : memref<768xf32, #tpu.memory_space<vmem>>, vector<16xf32>,
      %get3A_128 = vector.shape_cast %get3A_127 : vector<16xf32> to vector<16xf32>
      %get3A_129 = arith.constant 480 : index
      %get3A_130 = tpu.vector_load %arg7[%get3A_129] {strides = array<i32>} : memref<768xf32, #tpu.memory_space<vmem>>, vector<16xf32>,
      %get3A_131 = vector.shape_cast %get3A_130 : vector<16xf32> to vector<16xf32>
      %get3A_132 = arith.constant 496 : index
      %get3A_133 = tpu.vector_load %arg7[%get3A_132] {strides = array<i32>} : memref<768xf32, #tpu.memory_space<vmem>>, vector<16xf32>,
      %get3A_134 = vector.shape_cast %get3A_133 : vector<16xf32> to vector<16xf32>
      %get3A_135 = arith.constant 512 : index
      %get3A_136 = tpu.vector_load %arg7[%get3A_135] {strides = array<i32>} : memref<768xf32, #tpu.memory_space<vmem>>, vector<16xf32>,
      %get3A_137 = vector.shape_cast %get3A_136 : vector<16xf32> to vector<16xf32>
      %get3A_138 = arith.constant 528 : index
      %get3A_139 = tpu.vector_load %arg7[%get3A_138] {strides = array<i32>} : memref<768xf32, #tpu.memory_space<vmem>>, vector<16xf32>,
      %get3A_140 = vector.shape_cast %get3A_139 : vector<16xf32> to vector<16xf32>
      %get3A_141 = arith.constant 544 : index
      %get3A_142 = tpu.vector_load %arg7[%get3A_141] {strides = array<i32>} : memref<768xf32, #tpu.memory_space<vmem>>, vector<16xf32>,
      %get3A_143 = vector.shape_cast %get3A_142 : vector<16xf32> to vector<16xf32>
      %get3A_144 = arith.constant 560 : index
      %get3A_145 = tpu.vector_load %arg7[%get3A_144] {strides = array<i32>} : memref<768xf32, #tpu.memory_space<vmem>>, vector<16xf32>,
      %get3A_146 = vector.shape_cast %get3A_145 : vector<16xf32> to vector<16xf32>
      %get3A_147 = arith.constant 576 : index
      %get3A_148 = tpu.vector_load %arg7[%get3A_147] {strides = array<i32>} : memref<768xf32, #tpu.memory_space<vmem>>, vector<16xf32>,
      %get3A_149 = vector.shape_cast %get3A_148 : vector<16xf32> to vector<16xf32>
      %get3A_150 = arith.constant 592 : index
      %get3A_151 = tpu.vector_load %arg7[%get3A_150] {strides = array<i32>} : memref<768xf32, #tpu.memory_space<vmem>>, vector<16xf32>,
      %get3A_152 = vector.shape_cast %get3A_151 : vector<16xf32> to vector<16xf32>
      %get3A_153 = arith.constant 608 : index
      %get3A_154 = tpu.vector_load %arg7[%get3A_153] {strides = array<i32>} : memref<768xf32, #tpu.memory_space<vmem>>, vector<16xf32>,
      %get3A_155 = vector.shape_cast %get3A_154 : vector<16xf32> to vector<16xf32>
      %get3A_156 = arith.constant 624 : index
      %get3A_157 = tpu.vector_load %arg7[%get3A_156] {strides = array<i32>} : memref<768xf32, #tpu.memory_space<vmem>>, vector<16xf32>,
      %get3A_158 = vector.shape_cast %get3A_157 : vector<16xf32> to vector<16xf32>
      %get3A_159 = arith.constant 640 : index
      %get3A_160 = tpu.vector_load %arg7[%get3A_159] {strides = array<i32>} : memref<768xf32, #tpu.memory_space<vmem>>, vector<16xf32>,
      %get3A_161 = vector.shape_cast %get3A_160 : vector<16xf32> to vector<16xf32>
      %get3A_162 = arith.constant 656 : index
      %get3A_163 = tpu.vector_load %arg7[%get3A_162] {strides = array<i32>} : memref<768xf32, #tpu.memory_space<vmem>>, vector<16xf32>,
      %get3A_164 = vector.shape_cast %get3A_163 : vector<16xf32> to vector<16xf32>
      %get3A_165 = arith.constant 672 : index
      %get3A_166 = tpu.vector_load %arg7[%get3A_165] {strides = array<i32>} : memref<768xf32, #tpu.memory_space<vmem>>, vector<16xf32>,
      %get3A_167 = vector.shape_cast %get3A_166 : vector<16xf32> to vector<16xf32>
      %get3A_168 = arith.constant 688 : index
      %get3A_169 = tpu.vector_load %arg7[%get3A_168] {strides = array<i32>} : memref<768xf32, #tpu.memory_space<vmem>>, vector<16xf32>,
      %get3A_170 = vector.shape_cast %get3A_169 : vector<16xf32> to vector<16xf32>
      %get3A_171 = arith.constant 704 : index
      %get3A_172 = tpu.vector_load %arg7[%get3A_171] {strides = array<i32>} : memref<768xf32, #tpu.memory_space<vmem>>, vector<16xf32>,
      %get3A_173 = vector.shape_cast %get3A_172 : vector<16xf32> to vector<16xf32>
      %get3A_174 = arith.constant 720 : index
      %get3A_175 = tpu.vector_load %arg7[%get3A_174] {strides = array<i32>} : memref<768xf32, #tpu.memory_space<vmem>>, vector<16xf32>,
      %get3A_176 = vector.shape_cast %get3A_175 : vector<16xf32> to vector<16xf32>
      %get3A_177 = arith.constant 736 : index
      %get3A_178 = tpu.vector_load %arg7[%get3A_177] {strides = array<i32>} : memref<768xf32, #tpu.memory_space<vmem>>, vector<16xf32>,
      %get3A_179 = vector.shape_cast %get3A_178 : vector<16xf32> to vector<16xf32>
      %get3A_180 = arith.constant 752 : index
      %get3A_181 = tpu.vector_load %arg7[%get3A_180] {strides = array<i32>} : memref<768xf32, #tpu.memory_space<vmem>>, vector<16xf32>,
      %get3A_182 = vector.shape_cast %get3A_181 : vector<16xf32> to vector<16xf32>
      %parallel_loop3A_183 = arith.constant 0 : i32
      %parallel_loop3A_184 = arith.constant 64 : i32
      %parallel_loop3A_185 = arith.constant 1 : i32
      scf.for %parallel_loop3A_357 = %parallel_loop3A_183 to %parallel_loop3A_184 step %parallel_loop3A_185  : i32 {
        %parallel_loop3A_358 = arith.constant 768 : i32
        %parallel_loop3A_359 = arith.muli %parallel_loop3A_357, %parallel_loop3A_358 : i32
        %parallel_loop3A_360 = arith.constant 384 : i32
        %parallel_loop3A_361 = arith.addi %parallel_loop3A_359, %parallel_loop3A_360 : i32
        %parallel_loop3A_362 = arith.constant 0 : i32
        %parallel_loop3A_363 = arith.addi %parallel_loop3A_361, %parallel_loop3A_362 : i32
        %parallel_loop3A_364 = arith.index_cast %parallel_loop3A_363 : i32 to index
        %parallel_loop3A_365 = tpu.vector_load %arg5[%parallel_loop3A_364] {strides = array<i32>} : memref<49152xf32, #tpu.memory_space<vmem>>, vector<16xf32>,
        %parallel_loop3A_366 = vector.shape_cast %parallel_loop3A_365 : vector<16xf32> to vector<16xf32>
        %parallel_loop3A_367 = arith.mulf %parallel_loop3A_366, %get3A_113 : vector<16xf32>
        %parallel_loop3A_368 = arith.constant 16 : i32
        %parallel_loop3A_369 = arith.addi %parallel_loop3A_361, %parallel_loop3A_368 : i32
        %parallel_loop3A_370 = arith.index_cast %parallel_loop3A_369 : i32 to index
        %parallel_loop3A_371 = tpu.vector_load %arg5[%parallel_loop3A_370] {strides = array<i32>} : memref<49152xf32, #tpu.memory_space<vmem>>, vector<16xf32>,
        %parallel_loop3A_372 = vector.shape_cast %parallel_loop3A_371 : vector<16xf32> to vector<16xf32>
        %parallel_loop3A_373 = arith.mulf %parallel_loop3A_372, %get3A_116 : vector<16xf32>
        %parallel_loop3A_374 = arith.constant 32 : i32
        %parallel_loop3A_375 = arith.addi %parallel_loop3A_361, %parallel_loop3A_374 : i32
        %parallel_loop3A_376 = arith.index_cast %parallel_loop3A_375 : i32 to index
        %parallel_loop3A_377 = tpu.vector_load %arg5[%parallel_loop3A_376] {strides = array<i32>} : memref<49152xf32, #tpu.memory_space<vmem>>, vector<16xf32>,
        %parallel_loop3A_378 = vector.shape_cast %parallel_loop3A_377 : vector<16xf32> to vector<16xf32>
        %parallel_loop3A_379 = arith.mulf %parallel_loop3A_378, %get3A_119 : vector<16xf32>
        %parallel_loop3A_380 = arith.constant 48 : i32
        %parallel_loop3A_381 = arith.addi %parallel_loop3A_361, %parallel_loop3A_380 : i32
        %parallel_loop3A_382 = arith.index_cast %parallel_loop3A_381 : i32 to index
        %parallel_loop3A_383 = tpu.vector_load %arg5[%parallel_loop3A_382] {strides = array<i32>} : memref<49152xf32, #tpu.memory_space<vmem>>, vector<16xf32>,
        %parallel_loop3A_384 = vector.shape_cast %parallel_loop3A_383 : vector<16xf32> to vector<16xf32>
        %parallel_loop3A_385 = arith.mulf %parallel_loop3A_384, %get3A_122 : vector<16xf32>
        %parallel_loop3A_386 = arith.constant 64 : i32
        %parallel_loop3A_387 = arith.addi %parallel_loop3A_361, %parallel_loop3A_386 : i32
        %parallel_loop3A_388 = arith.index_cast %parallel_loop3A_387 : i32 to index
        %parallel_loop3A_389 = tpu.vector_load %arg5[%parallel_loop3A_388] {strides = array<i32>} : memref<49152xf32, #tpu.memory_space<vmem>>, vector<16xf32>,
        %parallel_loop3A_390 = vector.shape_cast %parallel_loop3A_389 : vector<16xf32> to vector<16xf32>
        %parallel_loop3A_391 = arith.mulf %parallel_loop3A_390, %get3A_125 : vector<16xf32>
        %parallel_loop3A_392 = arith.constant 80 : i32
        %parallel_loop3A_393 = arith.addi %parallel_loop3A_361, %parallel_loop3A_392 : i32
        %parallel_loop3A_394 = arith.index_cast %parallel_loop3A_393 : i32 to index
        %parallel_loop3A_395 = tpu.vector_load %arg5[%parallel_loop3A_394] {strides = array<i32>} : memref<49152xf32, #tpu.memory_space<vmem>>, vector<16xf32>,
        %parallel_loop3A_396 = vector.shape_cast %parallel_loop3A_395 : vector<16xf32> to vector<16xf32>
        %parallel_loop3A_397 = arith.mulf %parallel_loop3A_396, %get3A_128 : vector<16xf32>
        %parallel_loop3A_398 = arith.constant 96 : i32
        %parallel_loop3A_399 = arith.addi %parallel_loop3A_361, %parallel_loop3A_398 : i32
        %parallel_loop3A_400 = arith.index_cast %parallel_loop3A_399 : i32 to index
        %parallel_loop3A_401 = tpu.vector_load %arg5[%parallel_loop3A_400] {strides = array<i32>} : memref<49152xf32, #tpu.memory_space<vmem>>, vector<16xf32>,
        %parallel_loop3A_402 = vector.shape_cast %parallel_loop3A_401 : vector<16xf32> to vector<16xf32>
        %parallel_loop3A_403 = arith.mulf %parallel_loop3A_402, %get3A_131 : vector<16xf32>
        %parallel_loop3A_404 = arith.constant 112 : i32
        %parallel_loop3A_405 = arith.addi %parallel_loop3A_361, %parallel_loop3A_404 : i32
        %parallel_loop3A_406 = arith.index_cast %parallel_loop3A_405 : i32 to index
        %parallel_loop3A_407 = tpu.vector_load %arg5[%parallel_loop3A_406] {strides = array<i32>} : memref<49152xf32, #tpu.memory_space<vmem>>, vector<16xf32>,
        %parallel_loop3A_408 = vector.shape_cast %parallel_loop3A_407 : vector<16xf32> to vector<16xf32>
        %parallel_loop3A_409 = arith.mulf %parallel_loop3A_408, %get3A_134 : vector<16xf32>
        %parallel_loop3A_410 = arith.constant 128 : i32
        %parallel_loop3A_411 = arith.addi %parallel_loop3A_361, %parallel_loop3A_410 : i32
        %parallel_loop3A_412 = arith.index_cast %parallel_loop3A_411 : i32 to index
        %parallel_loop3A_413 = tpu.vector_load %arg5[%parallel_loop3A_412] {strides = array<i32>} : memref<49152xf32, #tpu.memory_space<vmem>>, vector<16xf32>,
        %parallel_loop3A_414 = vector.shape_cast %parallel_loop3A_413 : vector<16xf32> to vector<16xf32>
        %parallel_loop3A_415 = arith.mulf %parallel_loop3A_414, %get3A_137 : vector<16xf32>
        %parallel_loop3A_416 = arith.addf %parallel_loop3A_367, %parallel_loop3A_415 : vector<16xf32>
        %parallel_loop3A_417 = arith.constant 144 : i32
        %parallel_loop3A_418 = arith.addi %parallel_loop3A_361, %parallel_loop3A_417 : i32
        %parallel_loop3A_419 = arith.index_cast %parallel_loop3A_418 : i32 to index
        %parallel_loop3A_420 = tpu.vector_load %arg5[%parallel_loop3A_419] {strides = array<i32>} : memref<49152xf32, #tpu.memory_space<vmem>>, vector<16xf32>,
        %parallel_loop3A_421 = vector.shape_cast %parallel_loop3A_420 : vector<16xf32> to vector<16xf32>
        %parallel_loop3A_422 = arith.mulf %parallel_loop3A_421, %get3A_140 : vector<16xf32>
        %parallel_loop3A_423 = arith.addf %parallel_loop3A_373, %parallel_loop3A_422 : vector<16xf32>
        %parallel_loop3A_424 = arith.constant 160 : i32
        %parallel_loop3A_425 = arith.addi %parallel_loop3A_361, %parallel_loop3A_424 : i32
        %parallel_loop3A_426 = arith.index_cast %parallel_loop3A_425 : i32 to index
        %parallel_loop3A_427 = tpu.vector_load %arg5[%parallel_loop3A_426] {strides = array<i32>} : memref<49152xf32, #tpu.memory_space<vmem>>, vector<16xf32>,
        %parallel_loop3A_428 = vector.shape_cast %parallel_loop3A_427 : vector<16xf32> to vector<16xf32>
        %parallel_loop3A_429 = arith.mulf %parallel_loop3A_428, %get3A_143 : vector<16xf32>
        %parallel_loop3A_430 = arith.addf %parallel_loop3A_379, %parallel_loop3A_429 : vector<16xf32>
        %parallel_loop3A_431 = arith.constant 176 : i32
        %parallel_loop3A_432 = arith.addi %parallel_loop3A_361, %parallel_loop3A_431 : i32
        %parallel_loop3A_433 = arith.index_cast %parallel_loop3A_432 : i32 to index
        %parallel_loop3A_434 = tpu.vector_load %arg5[%parallel_loop3A_433] {strides = array<i32>} : memref<49152xf32, #tpu.memory_space<vmem>>, vector<16xf32>,
        %parallel_loop3A_435 = vector.shape_cast %parallel_loop3A_434 : vector<16xf32> to vector<16xf32>
        %parallel_loop3A_436 = arith.mulf %parallel_loop3A_435, %get3A_146 : vector<16xf32>
        %parallel_loop3A_437 = arith.addf %parallel_loop3A_385, %parallel_loop3A_436 : vector<16xf32>
        %parallel_loop3A_438 = arith.constant 192 : i32
        %parallel_loop3A_439 = arith.addi %parallel_loop3A_361, %parallel_loop3A_438 : i32
        %parallel_loop3A_440 = arith.index_cast %parallel_loop3A_439 : i32 to index
        %parallel_loop3A_441 = tpu.vector_load %arg5[%parallel_loop3A_440] {strides = array<i32>} : memref<49152xf32, #tpu.memory_space<vmem>>, vector<16xf32>,
        %parallel_loop3A_442 = vector.shape_cast %parallel_loop3A_441 : vector<16xf32> to vector<16xf32>
        %parallel_loop3A_443 = arith.mulf %parallel_loop3A_442, %get3A_149 : vector<16xf32>
        %parallel_loop3A_444 = arith.addf %parallel_loop3A_391, %parallel_loop3A_443 : vector<16xf32>
        %parallel_loop3A_445 = arith.constant 208 : i32
        %parallel_loop3A_446 = arith.addi %parallel_loop3A_361, %parallel_loop3A_445 : i32
        %parallel_loop3A_447 = arith.index_cast %parallel_loop3A_446 : i32 to index
        %parallel_loop3A_448 = tpu.vector_load %arg5[%parallel_loop3A_447] {strides = array<i32>} : memref<49152xf32, #tpu.memory_space<vmem>>, vector<16xf32>,
        %parallel_loop3A_449 = vector.shape_cast %parallel_loop3A_448 : vector<16xf32> to vector<16xf32>
        %parallel_loop3A_450 = arith.mulf %parallel_loop3A_449, %get3A_152 : vector<16xf32>
        %parallel_loop3A_451 = arith.addf %parallel_loop3A_397, %parallel_loop3A_450 : vector<16xf32>
        %parallel_loop3A_452 = arith.constant 224 : i32
        %parallel_loop3A_453 = arith.addi %parallel_loop3A_361, %parallel_loop3A_452 : i32
        %parallel_loop3A_454 = arith.index_cast %parallel_loop3A_453 : i32 to index
        %parallel_loop3A_455 = tpu.vector_load %arg5[%parallel_loop3A_454] {strides = array<i32>} : memref<49152xf32, #tpu.memory_space<vmem>>, vector<16xf32>,
        %parallel_loop3A_456 = vector.shape_cast %parallel_loop3A_455 : vector<16xf32> to vector<16xf32>
        %parallel_loop3A_457 = arith.mulf %parallel_loop3A_456, %get3A_155 : vector<16xf32>
        %parallel_loop3A_458 = arith.addf %parallel_loop3A_403, %parallel_loop3A_457 : vector<16xf32>
        %parallel_loop3A_459 = arith.constant 240 : i32
        %parallel_loop3A_460 = arith.addi %parallel_loop3A_361, %parallel_loop3A_459 : i32
        %parallel_loop3A_461 = arith.index_cast %parallel_loop3A_460 : i32 to index
        %parallel_loop3A_462 = tpu.vector_load %arg5[%parallel_loop3A_461] {strides = array<i32>} : memref<49152xf32, #tpu.memory_space<vmem>>, vector<16xf32>,
        %parallel_loop3A_463 = vector.shape_cast %parallel_loop3A_462 : vector<16xf32> to vector<16xf32>
        %parallel_loop3A_464 = arith.mulf %parallel_loop3A_463, %get3A_158 : vector<16xf32>
        %parallel_loop3A_465 = arith.addf %parallel_loop3A_409, %parallel_loop3A_464 : vector<16xf32>
        %parallel_loop3A_466 = arith.constant 256 : i32
        %parallel_loop3A_467 = arith.addi %parallel_loop3A_361, %parallel_loop3A_466 : i32
        %parallel_loop3A_468 = arith.index_cast %parallel_loop3A_467 : i32 to index
        %parallel_loop3A_469 = tpu.vector_load %arg5[%parallel_loop3A_468] {strides = array<i32>} : memref<49152xf32, #tpu.memory_space<vmem>>, vector<16xf32>,
        %parallel_loop3A_470 = vector.shape_cast %parallel_loop3A_469 : vector<16xf32> to vector<16xf32>
        %parallel_loop3A_471 = arith.mulf %parallel_loop3A_470, %get3A_161 : vector<16xf32>
        %parallel_loop3A_472 = arith.addf %parallel_loop3A_416, %parallel_loop3A_471 : vector<16xf32>
        %parallel_loop3A_473 = arith.constant 272 : i32
        %parallel_loop3A_474 = arith.addi %parallel_loop3A_361, %parallel_loop3A_473 : i32
        %parallel_loop3A_475 = arith.index_cast %parallel_loop3A_474 : i32 to index
        %parallel_loop3A_476 = tpu.vector_load %arg5[%parallel_loop3A_475] {strides = array<i32>} : memref<49152xf32, #tpu.memory_space<vmem>>, vector<16xf32>,
        %parallel_loop3A_477 = vector.shape_cast %parallel_loop3A_476 : vector<16xf32> to vector<16xf32>
        %parallel_loop3A_478 = arith.mulf %parallel_loop3A_477, %get3A_164 : vector<16xf32>
        %parallel_loop3A_479 = arith.addf %parallel_loop3A_423, %parallel_loop3A_478 : vector<16xf32>
        %parallel_loop3A_480 = arith.constant 288 : i32
        %parallel_loop3A_481 = arith.addi %parallel_loop3A_361, %parallel_loop3A_480 : i32
        %parallel_loop3A_482 = arith.index_cast %parallel_loop3A_481 : i32 to index
        %parallel_loop3A_483 = tpu.vector_load %arg5[%parallel_loop3A_482] {strides = array<i32>} : memref<49152xf32, #tpu.memory_space<vmem>>, vector<16xf32>,
        %parallel_loop3A_484 = vector.shape_cast %parallel_loop3A_483 : vector<16xf32> to vector<16xf32>
        %parallel_loop3A_485 = arith.mulf %parallel_loop3A_484, %get3A_167 : vector<16xf32>
        %parallel_loop3A_486 = arith.addf %parallel_loop3A_430, %parallel_loop3A_485 : vector<16xf32>
        %parallel_loop3A_487 = arith.constant 304 : i32
        %parallel_loop3A_488 = arith.addi %parallel_loop3A_361, %parallel_loop3A_487 : i32
        %parallel_loop3A_489 = arith.index_cast %parallel_loop3A_488 : i32 to index
        %parallel_loop3A_490 = tpu.vector_load %arg5[%parallel_loop3A_489] {strides = array<i32>} : memref<49152xf32, #tpu.memory_space<vmem>>, vector<16xf32>,
        %parallel_loop3A_491 = vector.shape_cast %parallel_loop3A_490 : vector<16xf32> to vector<16xf32>
        %parallel_loop3A_492 = arith.mulf %parallel_loop3A_491, %get3A_170 : vector<16xf32>
        %parallel_loop3A_493 = arith.addf %parallel_loop3A_437, %parallel_loop3A_492 : vector<16xf32>
        %parallel_loop3A_494 = arith.constant 320 : i32
        %parallel_loop3A_495 = arith.addi %parallel_loop3A_361, %parallel_loop3A_494 : i32
        %parallel_loop3A_496 = arith.index_cast %parallel_loop3A_495 : i32 to index
        %parallel_loop3A_497 = tpu.vector_load %arg5[%parallel_loop3A_496] {strides = array<i32>} : memref<49152xf32, #tpu.memory_space<vmem>>, vector<16xf32>,
        %parallel_loop3A_498 = vector.shape_cast %parallel_loop3A_497 : vector<16xf32> to vector<16xf32>
        %parallel_loop3A_499 = arith.mulf %parallel_loop3A_498, %get3A_173 : vector<16xf32>
        %parallel_loop3A_500 = arith.addf %parallel_loop3A_444, %parallel_loop3A_499 : vector<16xf32>
        %parallel_loop3A_501 = arith.constant 336 : i32
        %parallel_loop3A_502 = arith.addi %parallel_loop3A_361, %parallel_loop3A_501 : i32
        %parallel_loop3A_503 = arith.index_cast %parallel_loop3A_502 : i32 to index
        %parallel_loop3A_504 = tpu.vector_load %arg5[%parallel_loop3A_503] {strides = array<i32>} : memref<49152xf32, #tpu.memory_space<vmem>>, vector<16xf32>,
        %parallel_loop3A_505 = vector.shape_cast %parallel_loop3A_504 : vector<16xf32> to vector<16xf32>
        %parallel_loop3A_506 = arith.mulf %parallel_loop3A_505, %get3A_176 : vector<16xf32>
        %parallel_loop3A_507 = arith.addf %parallel_loop3A_451, %parallel_loop3A_506 : vector<16xf32>
        %parallel_loop3A_508 = arith.constant 352 : i32
        %parallel_loop3A_509 = arith.addi %parallel_loop3A_361, %parallel_loop3A_508 : i32
        %parallel_loop3A_510 = arith.index_cast %parallel_loop3A_509 : i32 to index
        %parallel_loop3A_511 = tpu.vector_load %arg5[%parallel_loop3A_510] {strides = array<i32>} : memref<49152xf32, #tpu.memory_space<vmem>>, vector<16xf32>,
        %parallel_loop3A_512 = vector.shape_cast %parallel_loop3A_511 : vector<16xf32> to vector<16xf32>
        %parallel_loop3A_513 = arith.mulf %parallel_loop3A_512, %get3A_179 : vector<16xf32>
        %parallel_loop3A_514 = arith.addf %parallel_loop3A_458, %parallel_loop3A_513 : vector<16xf32>
        %parallel_loop3A_515 = arith.constant 368 : i32
        %parallel_loop3A_516 = arith.addi %parallel_loop3A_361, %parallel_loop3A_515 : i32
        %parallel_loop3A_517 = arith.index_cast %parallel_loop3A_516 : i32 to index
        %parallel_loop3A_518 = tpu.vector_load %arg5[%parallel_loop3A_517] {strides = array<i32>} : memref<49152xf32, #tpu.memory_space<vmem>>, vector<16xf32>,
        %parallel_loop3A_519 = vector.shape_cast %parallel_loop3A_518 : vector<16xf32> to vector<16xf32>
        %parallel_loop3A_520 = arith.mulf %parallel_loop3A_519, %get3A_182 : vector<16xf32>
        %parallel_loop3A_521 = arith.addf %parallel_loop3A_465, %parallel_loop3A_520 : vector<16xf32>
        %parallel_loop3A_522 = arith.addf %parallel_loop3A_472, %parallel_loop3A_479 : vector<16xf32>
        %parallel_loop3A_523 = arith.addf %parallel_loop3A_486, %parallel_loop3A_493 : vector<16xf32>
        %parallel_loop3A_524 = arith.addf %parallel_loop3A_500, %parallel_loop3A_507 : vector<16xf32>
        %parallel_loop3A_525 = arith.addf %parallel_loop3A_514, %parallel_loop3A_521 : vector<16xf32>
        %parallel_loop3A_526 = arith.addf %parallel_loop3A_522, %parallel_loop3A_523 : vector<16xf32>
        %parallel_loop3A_527 = arith.addf %parallel_loop3A_524, %parallel_loop3A_525 : vector<16xf32>
        %parallel_loop3A_528 = arith.addf %parallel_loop3A_526, %parallel_loop3A_527 : vector<16xf32>
        %parallel_loop3A_529 = arith.constant 64 : i32
        %parallel_loop3A_530 = arith.muli %mul3A_34, %parallel_loop3A_529 : i32
        %parallel_loop3A_531 = arith.addi %parallel_loop3A_530, %parallel_loop3A_357 : i32
        %parallel_loop3A_532 = arith.constant 16 : i32
        %parallel_loop3A_533 = arith.muli %parallel_loop3A_531, %parallel_loop3A_532 : i32
        %parallel_loop3A_534 = arith.index_cast %parallel_loop3A_533 : i32 to index
        %parallel_loop3A_535 = tpu.vector_load %arg8[%parallel_loop3A_534] {strides = array<i32>} : memref<12288xf32, #tpu.memory_space<vmem>>, vector<16xf32>,
        %parallel_loop3A_536 = vector.shape_cast %parallel_loop3A_535 : vector<16xf32> to vector<16xf32>
        %parallel_loop3A_537 = arith.addf %parallel_loop3A_536, %parallel_loop3A_528 : vector<16xf32>
        %parallel_loop3A_538 = arith.index_cast %parallel_loop3A_533 : i32 to index
        %parallel_loop3A_539 = tpu.vector_load %arg8[%parallel_loop3A_538] {strides = array<i32>} : memref<12288xf32, #tpu.memory_space<vmem>>, vector<16xf32>,
        %parallel_loop3A_540 = vector.shape_cast %parallel_loop3A_539 : vector<16xf32> to vector<16xf32>
        %parallel_loop3A_541 = vector.shape_cast %parallel_loop3A_537 : vector<16xf32> to vector<16xf32>
        tpu.vector_store %arg8[%parallel_loop3A_538], %parallel_loop3A_541 {strides = array<i32>} : memref<12288xf32, #tpu.memory_space<vmem>>, vector<16xf32>,
      } {sc.loop_unroll_factor = 2 : i64, sc.parallel_access}
      %add3A_186 = arith.constant 2 : i32
      %add3A_187 = arith.addi %mul3A_34, %add3A_186 : i32
      %lt3A_188 = arith.constant 12 : i32
      %lt3A_189 = arith.cmpi slt, %add3A_187, %lt3A_188 : i32
      %convert_element_type3A_190 = arith.extui %lt3A_189 : i1 to i32
      %cond3A_191 = arith.constant 0 : i32
      %cond3A_192 = arith.cmpi ne, %convert_element_type3A_190, %cond3A_191 : i32
      scf.if %cond3A_192 {
        %mul3A_357 = arith.constant 64 : i32
        %mul3A_358 = arith.muli %add3A_187, %mul3A_357 : i32
        %add3A_359 = arith.addi %add3A, %mul3A_358 : i32
        %mul3A_360 = arith.constant 768 : i32
        %mul3A_361 = arith.muli %add3A_359, %mul3A_360 : i32
        %dma_start3A = tpu.memref_slice %arg2[%mul3A_361] : memref<18874368xf32, #tpu.memory_space<hbm>> -> memref<49152xf32, #tpu.memory_space<hbm>>
        %dma_start3A_362 = tpu.memref_slice %arg2[%mul3A_361] : memref<18874368xf32, #tpu.memory_space<hbm>> -> memref<49152xf32, #tpu.memory_space<hbm>>
        tpu.enqueue_dma source(%dma_start3A_362 : memref<49152xf32, #tpu.memory_space<hbm>>) target(%arg5 : memref<49152xf32, #tpu.memory_space<vmem>>) target_semaphore(%arg9 : memref<!tpu.dma_semaphore, #tpu.memory_space<semaphore_mem>>)
      } else {
      }
      %dma_wait3A_193 = arith.constant 0 : i32
      %dma_wait3A_194 = tpu.memref_slice %arg2[%dma_wait3A_193] : memref<18874368xf32, #tpu.memory_space<hbm>> -> memref<49152xf32, #tpu.memory_space<hbm>>
      %dma_wait3A_195 = arith.constant 0 : i32
      %dma_wait3A_196 = tpu.memref_slice %arg2[%dma_wait3A_195] : memref<18874368xf32, #tpu.memory_space<hbm>> -> memref<49152xf32, #tpu.memory_space<hbm>>
      tpu.wait_dma2 semaphore(%arg9 : memref<!tpu.dma_semaphore, #tpu.memory_space<semaphore_mem>>) src(%dma_wait3A_196 : memref<49152xf32, #tpu.memory_space<hbm>>) dst(%arg6 : memref<49152xf32, #tpu.memory_space<vmem>>)
      %add3A_197 = arith.constant 1 : i32
      %add3A_198 = arith.addi %mul3A_34, %add3A_197 : i32
      %get3A_199 = arith.constant 0 : index
      %get3A_200 = tpu.vector_load %arg7[%get3A_199] {strides = array<i32>} : memref<768xf32, #tpu.memory_space<vmem>>, vector<16xf32>,
      %get3A_201 = vector.shape_cast %get3A_200 : vector<16xf32> to vector<16xf32>
      %get3A_202 = arith.constant 16 : index
      %get3A_203 = tpu.vector_load %arg7[%get3A_202] {strides = array<i32>} : memref<768xf32, #tpu.memory_space<vmem>>, vector<16xf32>,
      %get3A_204 = vector.shape_cast %get3A_203 : vector<16xf32> to vector<16xf32>
      %get3A_205 = arith.constant 32 : index
      %get3A_206 = tpu.vector_load %arg7[%get3A_205] {strides = array<i32>} : memref<768xf32, #tpu.memory_space<vmem>>, vector<16xf32>,
      %get3A_207 = vector.shape_cast %get3A_206 : vector<16xf32> to vector<16xf32>
      %get3A_208 = arith.constant 48 : index
      %get3A_209 = tpu.vector_load %arg7[%get3A_208] {strides = array<i32>} : memref<768xf32, #tpu.memory_space<vmem>>, vector<16xf32>,
      %get3A_210 = vector.shape_cast %get3A_209 : vector<16xf32> to vector<16xf32>
      %get3A_211 = arith.constant 64 : index
      %get3A_212 = tpu.vector_load %arg7[%get3A_211] {strides = array<i32>} : memref<768xf32, #tpu.memory_space<vmem>>, vector<16xf32>,
      %get3A_213 = vector.shape_cast %get3A_212 : vector<16xf32> to vector<16xf32>
      %get3A_214 = arith.constant 80 : index
      %get3A_215 = tpu.vector_load %arg7[%get3A_214] {strides = array<i32>} : memref<768xf32, #tpu.memory_space<vmem>>, vector<16xf32>,
      %get3A_216 = vector.shape_cast %get3A_215 : vector<16xf32> to vector<16xf32>
      %get3A_217 = arith.constant 96 : index
      %get3A_218 = tpu.vector_load %arg7[%get3A_217] {strides = array<i32>} : memref<768xf32, #tpu.memory_space<vmem>>, vector<16xf32>,
      %get3A_219 = vector.shape_cast %get3A_218 : vector<16xf32> to vector<16xf32>
      %get3A_220 = arith.constant 112 : index
      %get3A_221 = tpu.vector_load %arg7[%get3A_220] {strides = array<i32>} : memref<768xf32, #tpu.memory_space<vmem>>, vector<16xf32>,
      %get3A_222 = vector.shape_cast %get3A_221 : vector<16xf32> to vector<16xf32>
      %get3A_223 = arith.constant 128 : index
      %get3A_224 = tpu.vector_load %arg7[%get3A_223] {strides = array<i32>} : memref<768xf32, #tpu.memory_space<vmem>>, vector<16xf32>,
      %get3A_225 = vector.shape_cast %get3A_224 : vector<16xf32> to vector<16xf32>
      %get3A_226 = arith.constant 144 : index
      %get3A_227 = tpu.vector_load %arg7[%get3A_226] {strides = array<i32>} : memref<768xf32, #tpu.memory_space<vmem>>, vector<16xf32>,
      %get3A_228 = vector.shape_cast %get3A_227 : vector<16xf32> to vector<16xf32>
      %get3A_229 = arith.constant 160 : index
      %get3A_230 = tpu.vector_load %arg7[%get3A_229] {strides = array<i32>} : memref<768xf32, #tpu.memory_space<vmem>>, vector<16xf32>,
      %get3A_231 = vector.shape_cast %get3A_230 : vector<16xf32> to vector<16xf32>
      %get3A_232 = arith.constant 176 : index
      %get3A_233 = tpu.vector_load %arg7[%get3A_232] {strides = array<i32>} : memref<768xf32, #tpu.memory_space<vmem>>, vector<16xf32>,
      %get3A_234 = vector.shape_cast %get3A_233 : vector<16xf32> to vector<16xf32>
      %get3A_235 = arith.constant 192 : index
      %get3A_236 = tpu.vector_load %arg7[%get3A_235] {strides = array<i32>} : memref<768xf32, #tpu.memory_space<vmem>>, vector<16xf32>,
      %get3A_237 = vector.shape_cast %get3A_236 : vector<16xf32> to vector<16xf32>
      %get3A_238 = arith.constant 208 : index
      %get3A_239 = tpu.vector_load %arg7[%get3A_238] {strides = array<i32>} : memref<768xf32, #tpu.memory_space<vmem>>, vector<16xf32>,
      %get3A_240 = vector.shape_cast %get3A_239 : vector<16xf32> to vector<16xf32>
      %get3A_241 = arith.constant 224 : index
      %get3A_242 = tpu.vector_load %arg7[%get3A_241] {strides = array<i32>} : memref<768xf32, #tpu.memory_space<vmem>>, vector<16xf32>,
      %get3A_243 = vector.shape_cast %get3A_242 : vector<16xf32> to vector<16xf32>
      %get3A_244 = arith.constant 240 : index
      %get3A_245 = tpu.vector_load %arg7[%get3A_244] {strides = array<i32>} : memref<768xf32, #tpu.memory_space<vmem>>, vector<16xf32>,
      %get3A_246 = vector.shape_cast %get3A_245 : vector<16xf32> to vector<16xf32>
      %get3A_247 = arith.constant 256 : index
      %get3A_248 = tpu.vector_load %arg7[%get3A_247] {strides = array<i32>} : memref<768xf32, #tpu.memory_space<vmem>>, vector<16xf32>,
      %get3A_249 = vector.shape_cast %get3A_248 : vector<16xf32> to vector<16xf32>
      %get3A_250 = arith.constant 272 : index
      %get3A_251 = tpu.vector_load %arg7[%get3A_250] {strides = array<i32>} : memref<768xf32, #tpu.memory_space<vmem>>, vector<16xf32>,
      %get3A_252 = vector.shape_cast %get3A_251 : vector<16xf32> to vector<16xf32>
      %get3A_253 = arith.constant 288 : index
      %get3A_254 = tpu.vector_load %arg7[%get3A_253] {strides = array<i32>} : memref<768xf32, #tpu.memory_space<vmem>>, vector<16xf32>,
      %get3A_255 = vector.shape_cast %get3A_254 : vector<16xf32> to vector<16xf32>
      %get3A_256 = arith.constant 304 : index
      %get3A_257 = tpu.vector_load %arg7[%get3A_256] {strides = array<i32>} : memref<768xf32, #tpu.memory_space<vmem>>, vector<16xf32>,
      %get3A_258 = vector.shape_cast %get3A_257 : vector<16xf32> to vector<16xf32>
      %get3A_259 = arith.constant 320 : index
      %get3A_260 = tpu.vector_load %arg7[%get3A_259] {strides = array<i32>} : memref<768xf32, #tpu.memory_space<vmem>>, vector<16xf32>,
      %get3A_261 = vector.shape_cast %get3A_260 : vector<16xf32> to vector<16xf32>
      %get3A_262 = arith.constant 336 : index
      %get3A_263 = tpu.vector_load %arg7[%get3A_262] {strides = array<i32>} : memref<768xf32, #tpu.memory_space<vmem>>, vector<16xf32>,
      %get3A_264 = vector.shape_cast %get3A_263 : vector<16xf32> to vector<16xf32>
      %get3A_265 = arith.constant 352 : index
      %get3A_266 = tpu.vector_load %arg7[%get3A_265] {strides = array<i32>} : memref<768xf32, #tpu.memory_space<vmem>>, vector<16xf32>,
      %get3A_267 = vector.shape_cast %get3A_266 : vector<16xf32> to vector<16xf32>
      %get3A_268 = arith.constant 368 : index
      %get3A_269 = tpu.vector_load %arg7[%get3A_268] {strides = array<i32>} : memref<768xf32, #tpu.memory_space<vmem>>, vector<16xf32>,
      %get3A_270 = vector.shape_cast %get3A_269 : vector<16xf32> to vector<16xf32>
      %parallel_loop3A_271 = arith.constant 0 : i32
      %parallel_loop3A_272 = arith.constant 64 : i32
      %parallel_loop3A_273 = arith.constant 1 : i32
      scf.for %parallel_loop3A_357 = %parallel_loop3A_271 to %parallel_loop3A_272 step %parallel_loop3A_273  : i32 {
        %parallel_loop3A_358 = arith.constant 768 : i32
        %parallel_loop3A_359 = arith.muli %parallel_loop3A_357, %parallel_loop3A_358 : i32
        %parallel_loop3A_360 = arith.constant 0 : i32
        %parallel_loop3A_361 = arith.addi %parallel_loop3A_359, %parallel_loop3A_360 : i32
        %parallel_loop3A_362 = arith.constant 0 : i32
        %parallel_loop3A_363 = arith.addi %parallel_loop3A_361, %parallel_loop3A_362 : i32
        %parallel_loop3A_364 = arith.index_cast %parallel_loop3A_363 : i32 to index
        %parallel_loop3A_365 = tpu.vector_load %arg6[%parallel_loop3A_364] {strides = array<i32>} : memref<49152xf32, #tpu.memory_space<vmem>>, vector<16xf32>,
        %parallel_loop3A_366 = vector.shape_cast %parallel_loop3A_365 : vector<16xf32> to vector<16xf32>
        %parallel_loop3A_367 = arith.mulf %parallel_loop3A_366, %get3A_201 : vector<16xf32>
        %parallel_loop3A_368 = arith.constant 16 : i32
        %parallel_loop3A_369 = arith.addi %parallel_loop3A_361, %parallel_loop3A_368 : i32
        %parallel_loop3A_370 = arith.index_cast %parallel_loop3A_369 : i32 to index
        %parallel_loop3A_371 = tpu.vector_load %arg6[%parallel_loop3A_370] {strides = array<i32>} : memref<49152xf32, #tpu.memory_space<vmem>>, vector<16xf32>,
        %parallel_loop3A_372 = vector.shape_cast %parallel_loop3A_371 : vector<16xf32> to vector<16xf32>
        %parallel_loop3A_373 = arith.mulf %parallel_loop3A_372, %get3A_204 : vector<16xf32>
        %parallel_loop3A_374 = arith.constant 32 : i32
        %parallel_loop3A_375 = arith.addi %parallel_loop3A_361, %parallel_loop3A_374 : i32
        %parallel_loop3A_376 = arith.index_cast %parallel_loop3A_375 : i32 to index
        %parallel_loop3A_377 = tpu.vector_load %arg6[%parallel_loop3A_376] {strides = array<i32>} : memref<49152xf32, #tpu.memory_space<vmem>>, vector<16xf32>,
        %parallel_loop3A_378 = vector.shape_cast %parallel_loop3A_377 : vector<16xf32> to vector<16xf32>
        %parallel_loop3A_379 = arith.mulf %parallel_loop3A_378, %get3A_207 : vector<16xf32>
        %parallel_loop3A_380 = arith.constant 48 : i32
        %parallel_loop3A_381 = arith.addi %parallel_loop3A_361, %parallel_loop3A_380 : i32
        %parallel_loop3A_382 = arith.index_cast %parallel_loop3A_381 : i32 to index
        %parallel_loop3A_383 = tpu.vector_load %arg6[%parallel_loop3A_382] {strides = array<i32>} : memref<49152xf32, #tpu.memory_space<vmem>>, vector<16xf32>,
        %parallel_loop3A_384 = vector.shape_cast %parallel_loop3A_383 : vector<16xf32> to vector<16xf32>
        %parallel_loop3A_385 = arith.mulf %parallel_loop3A_384, %get3A_210 : vector<16xf32>
        %parallel_loop3A_386 = arith.constant 64 : i32
        %parallel_loop3A_387 = arith.addi %parallel_loop3A_361, %parallel_loop3A_386 : i32
        %parallel_loop3A_388 = arith.index_cast %parallel_loop3A_387 : i32 to index
        %parallel_loop3A_389 = tpu.vector_load %arg6[%parallel_loop3A_388] {strides = array<i32>} : memref<49152xf32, #tpu.memory_space<vmem>>, vector<16xf32>,
        %parallel_loop3A_390 = vector.shape_cast %parallel_loop3A_389 : vector<16xf32> to vector<16xf32>
        %parallel_loop3A_391 = arith.mulf %parallel_loop3A_390, %get3A_213 : vector<16xf32>
        %parallel_loop3A_392 = arith.constant 80 : i32
        %parallel_loop3A_393 = arith.addi %parallel_loop3A_361, %parallel_loop3A_392 : i32
        %parallel_loop3A_394 = arith.index_cast %parallel_loop3A_393 : i32 to index
        %parallel_loop3A_395 = tpu.vector_load %arg6[%parallel_loop3A_394] {strides = array<i32>} : memref<49152xf32, #tpu.memory_space<vmem>>, vector<16xf32>,
        %parallel_loop3A_396 = vector.shape_cast %parallel_loop3A_395 : vector<16xf32> to vector<16xf32>
        %parallel_loop3A_397 = arith.mulf %parallel_loop3A_396, %get3A_216 : vector<16xf32>
        %parallel_loop3A_398 = arith.constant 96 : i32
        %parallel_loop3A_399 = arith.addi %parallel_loop3A_361, %parallel_loop3A_398 : i32
        %parallel_loop3A_400 = arith.index_cast %parallel_loop3A_399 : i32 to index
        %parallel_loop3A_401 = tpu.vector_load %arg6[%parallel_loop3A_400] {strides = array<i32>} : memref<49152xf32, #tpu.memory_space<vmem>>, vector<16xf32>,
        %parallel_loop3A_402 = vector.shape_cast %parallel_loop3A_401 : vector<16xf32> to vector<16xf32>
        %parallel_loop3A_403 = arith.mulf %parallel_loop3A_402, %get3A_219 : vector<16xf32>
        %parallel_loop3A_404 = arith.constant 112 : i32
        %parallel_loop3A_405 = arith.addi %parallel_loop3A_361, %parallel_loop3A_404 : i32
        %parallel_loop3A_406 = arith.index_cast %parallel_loop3A_405 : i32 to index
        %parallel_loop3A_407 = tpu.vector_load %arg6[%parallel_loop3A_406] {strides = array<i32>} : memref<49152xf32, #tpu.memory_space<vmem>>, vector<16xf32>,
        %parallel_loop3A_408 = vector.shape_cast %parallel_loop3A_407 : vector<16xf32> to vector<16xf32>
        %parallel_loop3A_409 = arith.mulf %parallel_loop3A_408, %get3A_222 : vector<16xf32>
        %parallel_loop3A_410 = arith.constant 128 : i32
        %parallel_loop3A_411 = arith.addi %parallel_loop3A_361, %parallel_loop3A_410 : i32
        %parallel_loop3A_412 = arith.index_cast %parallel_loop3A_411 : i32 to index
        %parallel_loop3A_413 = tpu.vector_load %arg6[%parallel_loop3A_412] {strides = array<i32>} : memref<49152xf32, #tpu.memory_space<vmem>>, vector<16xf32>,
        %parallel_loop3A_414 = vector.shape_cast %parallel_loop3A_413 : vector<16xf32> to vector<16xf32>
        %parallel_loop3A_415 = arith.mulf %parallel_loop3A_414, %get3A_225 : vector<16xf32>
        %parallel_loop3A_416 = arith.addf %parallel_loop3A_367, %parallel_loop3A_415 : vector<16xf32>
        %parallel_loop3A_417 = arith.constant 144 : i32
        %parallel_loop3A_418 = arith.addi %parallel_loop3A_361, %parallel_loop3A_417 : i32
        %parallel_loop3A_419 = arith.index_cast %parallel_loop3A_418 : i32 to index
        %parallel_loop3A_420 = tpu.vector_load %arg6[%parallel_loop3A_419] {strides = array<i32>} : memref<49152xf32, #tpu.memory_space<vmem>>, vector<16xf32>,
        %parallel_loop3A_421 = vector.shape_cast %parallel_loop3A_420 : vector<16xf32> to vector<16xf32>
        %parallel_loop3A_422 = arith.mulf %parallel_loop3A_421, %get3A_228 : vector<16xf32>
        %parallel_loop3A_423 = arith.addf %parallel_loop3A_373, %parallel_loop3A_422 : vector<16xf32>
        %parallel_loop3A_424 = arith.constant 160 : i32
        %parallel_loop3A_425 = arith.addi %parallel_loop3A_361, %parallel_loop3A_424 : i32
        %parallel_loop3A_426 = arith.index_cast %parallel_loop3A_425 : i32 to index
        %parallel_loop3A_427 = tpu.vector_load %arg6[%parallel_loop3A_426] {strides = array<i32>} : memref<49152xf32, #tpu.memory_space<vmem>>, vector<16xf32>,
        %parallel_loop3A_428 = vector.shape_cast %parallel_loop3A_427 : vector<16xf32> to vector<16xf32>
        %parallel_loop3A_429 = arith.mulf %parallel_loop3A_428, %get3A_231 : vector<16xf32>
        %parallel_loop3A_430 = arith.addf %parallel_loop3A_379, %parallel_loop3A_429 : vector<16xf32>
        %parallel_loop3A_431 = arith.constant 176 : i32
        %parallel_loop3A_432 = arith.addi %parallel_loop3A_361, %parallel_loop3A_431 : i32
        %parallel_loop3A_433 = arith.index_cast %parallel_loop3A_432 : i32 to index
        %parallel_loop3A_434 = tpu.vector_load %arg6[%parallel_loop3A_433] {strides = array<i32>} : memref<49152xf32, #tpu.memory_space<vmem>>, vector<16xf32>,
        %parallel_loop3A_435 = vector.shape_cast %parallel_loop3A_434 : vector<16xf32> to vector<16xf32>
        %parallel_loop3A_436 = arith.mulf %parallel_loop3A_435, %get3A_234 : vector<16xf32>
        %parallel_loop3A_437 = arith.addf %parallel_loop3A_385, %parallel_loop3A_436 : vector<16xf32>
        %parallel_loop3A_438 = arith.constant 192 : i32
        %parallel_loop3A_439 = arith.addi %parallel_loop3A_361, %parallel_loop3A_438 : i32
        %parallel_loop3A_440 = arith.index_cast %parallel_loop3A_439 : i32 to index
        %parallel_loop3A_441 = tpu.vector_load %arg6[%parallel_loop3A_440] {strides = array<i32>} : memref<49152xf32, #tpu.memory_space<vmem>>, vector<16xf32>,
        %parallel_loop3A_442 = vector.shape_cast %parallel_loop3A_441 : vector<16xf32> to vector<16xf32>
        %parallel_loop3A_443 = arith.mulf %parallel_loop3A_442, %get3A_237 : vector<16xf32>
        %parallel_loop3A_444 = arith.addf %parallel_loop3A_391, %parallel_loop3A_443 : vector<16xf32>
        %parallel_loop3A_445 = arith.constant 208 : i32
        %parallel_loop3A_446 = arith.addi %parallel_loop3A_361, %parallel_loop3A_445 : i32
        %parallel_loop3A_447 = arith.index_cast %parallel_loop3A_446 : i32 to index
        %parallel_loop3A_448 = tpu.vector_load %arg6[%parallel_loop3A_447] {strides = array<i32>} : memref<49152xf32, #tpu.memory_space<vmem>>, vector<16xf32>,
        %parallel_loop3A_449 = vector.shape_cast %parallel_loop3A_448 : vector<16xf32> to vector<16xf32>
        %parallel_loop3A_450 = arith.mulf %parallel_loop3A_449, %get3A_240 : vector<16xf32>
        %parallel_loop3A_451 = arith.addf %parallel_loop3A_397, %parallel_loop3A_450 : vector<16xf32>
        %parallel_loop3A_452 = arith.constant 224 : i32
        %parallel_loop3A_453 = arith.addi %parallel_loop3A_361, %parallel_loop3A_452 : i32
        %parallel_loop3A_454 = arith.index_cast %parallel_loop3A_453 : i32 to index
        %parallel_loop3A_455 = tpu.vector_load %arg6[%parallel_loop3A_454] {strides = array<i32>} : memref<49152xf32, #tpu.memory_space<vmem>>, vector<16xf32>,
        %parallel_loop3A_456 = vector.shape_cast %parallel_loop3A_455 : vector<16xf32> to vector<16xf32>
        %parallel_loop3A_457 = arith.mulf %parallel_loop3A_456, %get3A_243 : vector<16xf32>
        %parallel_loop3A_458 = arith.addf %parallel_loop3A_403, %parallel_loop3A_457 : vector<16xf32>
        %parallel_loop3A_459 = arith.constant 240 : i32
        %parallel_loop3A_460 = arith.addi %parallel_loop3A_361, %parallel_loop3A_459 : i32
        %parallel_loop3A_461 = arith.index_cast %parallel_loop3A_460 : i32 to index
        %parallel_loop3A_462 = tpu.vector_load %arg6[%parallel_loop3A_461] {strides = array<i32>} : memref<49152xf32, #tpu.memory_space<vmem>>, vector<16xf32>,
        %parallel_loop3A_463 = vector.shape_cast %parallel_loop3A_462 : vector<16xf32> to vector<16xf32>
        %parallel_loop3A_464 = arith.mulf %parallel_loop3A_463, %get3A_246 : vector<16xf32>
        %parallel_loop3A_465 = arith.addf %parallel_loop3A_409, %parallel_loop3A_464 : vector<16xf32>
        %parallel_loop3A_466 = arith.constant 256 : i32
        %parallel_loop3A_467 = arith.addi %parallel_loop3A_361, %parallel_loop3A_466 : i32
        %parallel_loop3A_468 = arith.index_cast %parallel_loop3A_467 : i32 to index
        %parallel_loop3A_469 = tpu.vector_load %arg6[%parallel_loop3A_468] {strides = array<i32>} : memref<49152xf32, #tpu.memory_space<vmem>>, vector<16xf32>,
        %parallel_loop3A_470 = vector.shape_cast %parallel_loop3A_469 : vector<16xf32> to vector<16xf32>
        %parallel_loop3A_471 = arith.mulf %parallel_loop3A_470, %get3A_249 : vector<16xf32>
        %parallel_loop3A_472 = arith.addf %parallel_loop3A_416, %parallel_loop3A_471 : vector<16xf32>
        %parallel_loop3A_473 = arith.constant 272 : i32
        %parallel_loop3A_474 = arith.addi %parallel_loop3A_361, %parallel_loop3A_473 : i32
        %parallel_loop3A_475 = arith.index_cast %parallel_loop3A_474 : i32 to index
        %parallel_loop3A_476 = tpu.vector_load %arg6[%parallel_loop3A_475] {strides = array<i32>} : memref<49152xf32, #tpu.memory_space<vmem>>, vector<16xf32>,
        %parallel_loop3A_477 = vector.shape_cast %parallel_loop3A_476 : vector<16xf32> to vector<16xf32>
        %parallel_loop3A_478 = arith.mulf %parallel_loop3A_477, %get3A_252 : vector<16xf32>
        %parallel_loop3A_479 = arith.addf %parallel_loop3A_423, %parallel_loop3A_478 : vector<16xf32>
        %parallel_loop3A_480 = arith.constant 288 : i32
        %parallel_loop3A_481 = arith.addi %parallel_loop3A_361, %parallel_loop3A_480 : i32
        %parallel_loop3A_482 = arith.index_cast %parallel_loop3A_481 : i32 to index
        %parallel_loop3A_483 = tpu.vector_load %arg6[%parallel_loop3A_482] {strides = array<i32>} : memref<49152xf32, #tpu.memory_space<vmem>>, vector<16xf32>,
        %parallel_loop3A_484 = vector.shape_cast %parallel_loop3A_483 : vector<16xf32> to vector<16xf32>
        %parallel_loop3A_485 = arith.mulf %parallel_loop3A_484, %get3A_255 : vector<16xf32>
        %parallel_loop3A_486 = arith.addf %parallel_loop3A_430, %parallel_loop3A_485 : vector<16xf32>
        %parallel_loop3A_487 = arith.constant 304 : i32
        %parallel_loop3A_488 = arith.addi %parallel_loop3A_361, %parallel_loop3A_487 : i32
        %parallel_loop3A_489 = arith.index_cast %parallel_loop3A_488 : i32 to index
        %parallel_loop3A_490 = tpu.vector_load %arg6[%parallel_loop3A_489] {strides = array<i32>} : memref<49152xf32, #tpu.memory_space<vmem>>, vector<16xf32>,
        %parallel_loop3A_491 = vector.shape_cast %parallel_loop3A_490 : vector<16xf32> to vector<16xf32>
        %parallel_loop3A_492 = arith.mulf %parallel_loop3A_491, %get3A_258 : vector<16xf32>
        %parallel_loop3A_493 = arith.addf %parallel_loop3A_437, %parallel_loop3A_492 : vector<16xf32>
        %parallel_loop3A_494 = arith.constant 320 : i32
        %parallel_loop3A_495 = arith.addi %parallel_loop3A_361, %parallel_loop3A_494 : i32
        %parallel_loop3A_496 = arith.index_cast %parallel_loop3A_495 : i32 to index
        %parallel_loop3A_497 = tpu.vector_load %arg6[%parallel_loop3A_496] {strides = array<i32>} : memref<49152xf32, #tpu.memory_space<vmem>>, vector<16xf32>,
        %parallel_loop3A_498 = vector.shape_cast %parallel_loop3A_497 : vector<16xf32> to vector<16xf32>
        %parallel_loop3A_499 = arith.mulf %parallel_loop3A_498, %get3A_261 : vector<16xf32>
        %parallel_loop3A_500 = arith.addf %parallel_loop3A_444, %parallel_loop3A_499 : vector<16xf32>
        %parallel_loop3A_501 = arith.constant 336 : i32
        %parallel_loop3A_502 = arith.addi %parallel_loop3A_361, %parallel_loop3A_501 : i32
        %parallel_loop3A_503 = arith.index_cast %parallel_loop3A_502 : i32 to index
        %parallel_loop3A_504 = tpu.vector_load %arg6[%parallel_loop3A_503] {strides = array<i32>} : memref<49152xf32, #tpu.memory_space<vmem>>, vector<16xf32>,
        %parallel_loop3A_505 = vector.shape_cast %parallel_loop3A_504 : vector<16xf32> to vector<16xf32>
        %parallel_loop3A_506 = arith.mulf %parallel_loop3A_505, %get3A_264 : vector<16xf32>
        %parallel_loop3A_507 = arith.addf %parallel_loop3A_451, %parallel_loop3A_506 : vector<16xf32>
        %parallel_loop3A_508 = arith.constant 352 : i32
        %parallel_loop3A_509 = arith.addi %parallel_loop3A_361, %parallel_loop3A_508 : i32
        %parallel_loop3A_510 = arith.index_cast %parallel_loop3A_509 : i32 to index
        %parallel_loop3A_511 = tpu.vector_load %arg6[%parallel_loop3A_510] {strides = array<i32>} : memref<49152xf32, #tpu.memory_space<vmem>>, vector<16xf32>,
        %parallel_loop3A_512 = vector.shape_cast %parallel_loop3A_511 : vector<16xf32> to vector<16xf32>
        %parallel_loop3A_513 = arith.mulf %parallel_loop3A_512, %get3A_267 : vector<16xf32>
        %parallel_loop3A_514 = arith.addf %parallel_loop3A_458, %parallel_loop3A_513 : vector<16xf32>
        %parallel_loop3A_515 = arith.constant 368 : i32
        %parallel_loop3A_516 = arith.addi %parallel_loop3A_361, %parallel_loop3A_515 : i32
        %parallel_loop3A_517 = arith.index_cast %parallel_loop3A_516 : i32 to index
        %parallel_loop3A_518 = tpu.vector_load %arg6[%parallel_loop3A_517] {strides = array<i32>} : memref<49152xf32, #tpu.memory_space<vmem>>, vector<16xf32>,
        %parallel_loop3A_519 = vector.shape_cast %parallel_loop3A_518 : vector<16xf32> to vector<16xf32>
        %parallel_loop3A_520 = arith.mulf %parallel_loop3A_519, %get3A_270 : vector<16xf32>
        %parallel_loop3A_521 = arith.addf %parallel_loop3A_465, %parallel_loop3A_520 : vector<16xf32>
        %parallel_loop3A_522 = arith.addf %parallel_loop3A_472, %parallel_loop3A_479 : vector<16xf32>
        %parallel_loop3A_523 = arith.addf %parallel_loop3A_486, %parallel_loop3A_493 : vector<16xf32>
        %parallel_loop3A_524 = arith.addf %parallel_loop3A_500, %parallel_loop3A_507 : vector<16xf32>
        %parallel_loop3A_525 = arith.addf %parallel_loop3A_514, %parallel_loop3A_521 : vector<16xf32>
        %parallel_loop3A_526 = arith.addf %parallel_loop3A_522, %parallel_loop3A_523 : vector<16xf32>
        %parallel_loop3A_527 = arith.addf %parallel_loop3A_524, %parallel_loop3A_525 : vector<16xf32>
        %parallel_loop3A_528 = arith.addf %parallel_loop3A_526, %parallel_loop3A_527 : vector<16xf32>
        %parallel_loop3A_529 = arith.constant 64 : i32
        %parallel_loop3A_530 = arith.muli %add3A_198, %parallel_loop3A_529 : i32
        %parallel_loop3A_531 = arith.addi %parallel_loop3A_530, %parallel_loop3A_357 : i32
        %parallel_loop3A_532 = arith.constant 16 : i32
        %parallel_loop3A_533 = arith.muli %parallel_loop3A_531, %parallel_loop3A_532 : i32
        %parallel_loop3A_534 = arith.index_cast %parallel_loop3A_533 : i32 to index
        %parallel_loop3A_535 = tpu.vector_load %arg8[%parallel_loop3A_534] {strides = array<i32>} : memref<12288xf32, #tpu.memory_space<vmem>>, vector<16xf32>,
        %parallel_loop3A_536 = vector.shape_cast %parallel_loop3A_535 : vector<16xf32> to vector<16xf32>
        %parallel_loop3A_537 = vector.shape_cast %parallel_loop3A_528 : vector<16xf32> to vector<16xf32>
        tpu.vector_store %arg8[%parallel_loop3A_534], %parallel_loop3A_537 {strides = array<i32>} : memref<12288xf32, #tpu.memory_space<vmem>>, vector<16xf32>,
      } {sc.loop_unroll_factor = 2 : i64, sc.parallel_access}
      %get3A_274 = arith.constant 384 : index
      %get3A_275 = tpu.vector_load %arg7[%get3A_274] {strides = array<i32>} : memref<768xf32, #tpu.memory_space<vmem>>, vector<16xf32>,
      %get3A_276 = vector.shape_cast %get3A_275 : vector<16xf32> to vector<16xf32>
      %get3A_277 = arith.constant 400 : index
      %get3A_278 = tpu.vector_load %arg7[%get3A_277] {strides = array<i32>} : memref<768xf32, #tpu.memory_space<vmem>>, vector<16xf32>,
      %get3A_279 = vector.shape_cast %get3A_278 : vector<16xf32> to vector<16xf32>
      %get3A_280 = arith.constant 416 : index
      %get3A_281 = tpu.vector_load %arg7[%get3A_280] {strides = array<i32>} : memref<768xf32, #tpu.memory_space<vmem>>, vector<16xf32>,
      %get3A_282 = vector.shape_cast %get3A_281 : vector<16xf32> to vector<16xf32>
      %get3A_283 = arith.constant 432 : index
      %get3A_284 = tpu.vector_load %arg7[%get3A_283] {strides = array<i32>} : memref<768xf32, #tpu.memory_space<vmem>>, vector<16xf32>,
      %get3A_285 = vector.shape_cast %get3A_284 : vector<16xf32> to vector<16xf32>
      %get3A_286 = arith.constant 448 : index
      %get3A_287 = tpu.vector_load %arg7[%get3A_286] {strides = array<i32>} : memref<768xf32, #tpu.memory_space<vmem>>, vector<16xf32>,
      %get3A_288 = vector.shape_cast %get3A_287 : vector<16xf32> to vector<16xf32>
      %get3A_289 = arith.constant 464 : index
      %get3A_290 = tpu.vector_load %arg7[%get3A_289] {strides = array<i32>} : memref<768xf32, #tpu.memory_space<vmem>>, vector<16xf32>,
      %get3A_291 = vector.shape_cast %get3A_290 : vector<16xf32> to vector<16xf32>
      %get3A_292 = arith.constant 480 : index
      %get3A_293 = tpu.vector_load %arg7[%get3A_292] {strides = array<i32>} : memref<768xf32, #tpu.memory_space<vmem>>, vector<16xf32>,
      %get3A_294 = vector.shape_cast %get3A_293 : vector<16xf32> to vector<16xf32>
      %get3A_295 = arith.constant 496 : index
      %get3A_296 = tpu.vector_load %arg7[%get3A_295] {strides = array<i32>} : memref<768xf32, #tpu.memory_space<vmem>>, vector<16xf32>,
      %get3A_297 = vector.shape_cast %get3A_296 : vector<16xf32> to vector<16xf32>
      %get3A_298 = arith.constant 512 : index
      %get3A_299 = tpu.vector_load %arg7[%get3A_298] {strides = array<i32>} : memref<768xf32, #tpu.memory_space<vmem>>, vector<16xf32>,
      %get3A_300 = vector.shape_cast %get3A_299 : vector<16xf32> to vector<16xf32>
      %get3A_301 = arith.constant 528 : index
      %get3A_302 = tpu.vector_load %arg7[%get3A_301] {strides = array<i32>} : memref<768xf32, #tpu.memory_space<vmem>>, vector<16xf32>,
      %get3A_303 = vector.shape_cast %get3A_302 : vector<16xf32> to vector<16xf32>
      %get3A_304 = arith.constant 544 : index
      %get3A_305 = tpu.vector_load %arg7[%get3A_304] {strides = array<i32>} : memref<768xf32, #tpu.memory_space<vmem>>, vector<16xf32>,
      %get3A_306 = vector.shape_cast %get3A_305 : vector<16xf32> to vector<16xf32>
      %get3A_307 = arith.constant 560 : index
      %get3A_308 = tpu.vector_load %arg7[%get3A_307] {strides = array<i32>} : memref<768xf32, #tpu.memory_space<vmem>>, vector<16xf32>,
      %get3A_309 = vector.shape_cast %get3A_308 : vector<16xf32> to vector<16xf32>
      %get3A_310 = arith.constant 576 : index
      %get3A_311 = tpu.vector_load %arg7[%get3A_310] {strides = array<i32>} : memref<768xf32, #tpu.memory_space<vmem>>, vector<16xf32>,
      %get3A_312 = vector.shape_cast %get3A_311 : vector<16xf32> to vector<16xf32>
      %get3A_313 = arith.constant 592 : index
      %get3A_314 = tpu.vector_load %arg7[%get3A_313] {strides = array<i32>} : memref<768xf32, #tpu.memory_space<vmem>>, vector<16xf32>,
      %get3A_315 = vector.shape_cast %get3A_314 : vector<16xf32> to vector<16xf32>
      %get3A_316 = arith.constant 608 : index
      %get3A_317 = tpu.vector_load %arg7[%get3A_316] {strides = array<i32>} : memref<768xf32, #tpu.memory_space<vmem>>, vector<16xf32>,
      %get3A_318 = vector.shape_cast %get3A_317 : vector<16xf32> to vector<16xf32>
      %get3A_319 = arith.constant 624 : index
      %get3A_320 = tpu.vector_load %arg7[%get3A_319] {strides = array<i32>} : memref<768xf32, #tpu.memory_space<vmem>>, vector<16xf32>,
      %get3A_321 = vector.shape_cast %get3A_320 : vector<16xf32> to vector<16xf32>
      %get3A_322 = arith.constant 640 : index
      %get3A_323 = tpu.vector_load %arg7[%get3A_322] {strides = array<i32>} : memref<768xf32, #tpu.memory_space<vmem>>, vector<16xf32>,
      %get3A_324 = vector.shape_cast %get3A_323 : vector<16xf32> to vector<16xf32>
      %get3A_325 = arith.constant 656 : index
      %get3A_326 = tpu.vector_load %arg7[%get3A_325] {strides = array<i32>} : memref<768xf32, #tpu.memory_space<vmem>>, vector<16xf32>,
      %get3A_327 = vector.shape_cast %get3A_326 : vector<16xf32> to vector<16xf32>
      %get3A_328 = arith.constant 672 : index
      %get3A_329 = tpu.vector_load %arg7[%get3A_328] {strides = array<i32>} : memref<768xf32, #tpu.memory_space<vmem>>, vector<16xf32>,
      %get3A_330 = vector.shape_cast %get3A_329 : vector<16xf32> to vector<16xf32>
      %get3A_331 = arith.constant 688 : index
      %get3A_332 = tpu.vector_load %arg7[%get3A_331] {strides = array<i32>} : memref<768xf32, #tpu.memory_space<vmem>>, vector<16xf32>,
      %get3A_333 = vector.shape_cast %get3A_332 : vector<16xf32> to vector<16xf32>
      %get3A_334 = arith.constant 704 : index
      %get3A_335 = tpu.vector_load %arg7[%get3A_334] {strides = array<i32>} : memref<768xf32, #tpu.memory_space<vmem>>, vector<16xf32>,
      %get3A_336 = vector.shape_cast %get3A_335 : vector<16xf32> to vector<16xf32>
      %get3A_337 = arith.constant 720 : index
      %get3A_338 = tpu.vector_load %arg7[%get3A_337] {strides = array<i32>} : memref<768xf32, #tpu.memory_space<vmem>>, vector<16xf32>,
      %get3A_339 = vector.shape_cast %get3A_338 : vector<16xf32> to vector<16xf32>
      %get3A_340 = arith.constant 736 : index
      %get3A_341 = tpu.vector_load %arg7[%get3A_340] {strides = array<i32>} : memref<768xf32, #tpu.memory_space<vmem>>, vector<16xf32>,
      %get3A_342 = vector.shape_cast %get3A_341 : vector<16xf32> to vector<16xf32>
      %get3A_343 = arith.constant 752 : index
      %get3A_344 = tpu.vector_load %arg7[%get3A_343] {strides = array<i32>} : memref<768xf32, #tpu.memory_space<vmem>>, vector<16xf32>,
      %get3A_345 = vector.shape_cast %get3A_344 : vector<16xf32> to vector<16xf32>
      %parallel_loop3A_346 = arith.constant 0 : i32
      %parallel_loop3A_347 = arith.constant 64 : i32
      %parallel_loop3A_348 = arith.constant 1 : i32
      scf.for %parallel_loop3A_357 = %parallel_loop3A_346 to %parallel_loop3A_347 step %parallel_loop3A_348  : i32 {
        %parallel_loop3A_358 = arith.constant 768 : i32
        %parallel_loop3A_359 = arith.muli %parallel_loop3A_357, %parallel_loop3A_358 : i32
        %parallel_loop3A_360 = arith.constant 384 : i32
        %parallel_loop3A_361 = arith.addi %parallel_loop3A_359, %parallel_loop3A_360 : i32
        %parallel_loop3A_362 = arith.constant 0 : i32
        %parallel_loop3A_363 = arith.addi %parallel_loop3A_361, %parallel_loop3A_362 : i32
        %parallel_loop3A_364 = arith.index_cast %parallel_loop3A_363 : i32 to index
        %parallel_loop3A_365 = tpu.vector_load %arg6[%parallel_loop3A_364] {strides = array<i32>} : memref<49152xf32, #tpu.memory_space<vmem>>, vector<16xf32>,
        %parallel_loop3A_366 = vector.shape_cast %parallel_loop3A_365 : vector<16xf32> to vector<16xf32>
        %parallel_loop3A_367 = arith.mulf %parallel_loop3A_366, %get3A_276 : vector<16xf32>
        %parallel_loop3A_368 = arith.constant 16 : i32
        %parallel_loop3A_369 = arith.addi %parallel_loop3A_361, %parallel_loop3A_368 : i32
        %parallel_loop3A_370 = arith.index_cast %parallel_loop3A_369 : i32 to index
        %parallel_loop3A_371 = tpu.vector_load %arg6[%parallel_loop3A_370] {strides = array<i32>} : memref<49152xf32, #tpu.memory_space<vmem>>, vector<16xf32>,
        %parallel_loop3A_372 = vector.shape_cast %parallel_loop3A_371 : vector<16xf32> to vector<16xf32>
        %parallel_loop3A_373 = arith.mulf %parallel_loop3A_372, %get3A_279 : vector<16xf32>
        %parallel_loop3A_374 = arith.constant 32 : i32
        %parallel_loop3A_375 = arith.addi %parallel_loop3A_361, %parallel_loop3A_374 : i32
        %parallel_loop3A_376 = arith.index_cast %parallel_loop3A_375 : i32 to index
        %parallel_loop3A_377 = tpu.vector_load %arg6[%parallel_loop3A_376] {strides = array<i32>} : memref<49152xf32, #tpu.memory_space<vmem>>, vector<16xf32>,
        %parallel_loop3A_378 = vector.shape_cast %parallel_loop3A_377 : vector<16xf32> to vector<16xf32>
        %parallel_loop3A_379 = arith.mulf %parallel_loop3A_378, %get3A_282 : vector<16xf32>
        %parallel_loop3A_380 = arith.constant 48 : i32
        %parallel_loop3A_381 = arith.addi %parallel_loop3A_361, %parallel_loop3A_380 : i32
        %parallel_loop3A_382 = arith.index_cast %parallel_loop3A_381 : i32 to index
        %parallel_loop3A_383 = tpu.vector_load %arg6[%parallel_loop3A_382] {strides = array<i32>} : memref<49152xf32, #tpu.memory_space<vmem>>, vector<16xf32>,
        %parallel_loop3A_384 = vector.shape_cast %parallel_loop3A_383 : vector<16xf32> to vector<16xf32>
        %parallel_loop3A_385 = arith.mulf %parallel_loop3A_384, %get3A_285 : vector<16xf32>
        %parallel_loop3A_386 = arith.constant 64 : i32
        %parallel_loop3A_387 = arith.addi %parallel_loop3A_361, %parallel_loop3A_386 : i32
        %parallel_loop3A_388 = arith.index_cast %parallel_loop3A_387 : i32 to index
        %parallel_loop3A_389 = tpu.vector_load %arg6[%parallel_loop3A_388] {strides = array<i32>} : memref<49152xf32, #tpu.memory_space<vmem>>, vector<16xf32>,
        %parallel_loop3A_390 = vector.shape_cast %parallel_loop3A_389 : vector<16xf32> to vector<16xf32>
        %parallel_loop3A_391 = arith.mulf %parallel_loop3A_390, %get3A_288 : vector<16xf32>
        %parallel_loop3A_392 = arith.constant 80 : i32
        %parallel_loop3A_393 = arith.addi %parallel_loop3A_361, %parallel_loop3A_392 : i32
        %parallel_loop3A_394 = arith.index_cast %parallel_loop3A_393 : i32 to index
        %parallel_loop3A_395 = tpu.vector_load %arg6[%parallel_loop3A_394] {strides = array<i32>} : memref<49152xf32, #tpu.memory_space<vmem>>, vector<16xf32>,
        %parallel_loop3A_396 = vector.shape_cast %parallel_loop3A_395 : vector<16xf32> to vector<16xf32>
        %parallel_loop3A_397 = arith.mulf %parallel_loop3A_396, %get3A_291 : vector<16xf32>
        %parallel_loop3A_398 = arith.constant 96 : i32
        %parallel_loop3A_399 = arith.addi %parallel_loop3A_361, %parallel_loop3A_398 : i32
        %parallel_loop3A_400 = arith.index_cast %parallel_loop3A_399 : i32 to index
        %parallel_loop3A_401 = tpu.vector_load %arg6[%parallel_loop3A_400] {strides = array<i32>} : memref<49152xf32, #tpu.memory_space<vmem>>, vector<16xf32>,
        %parallel_loop3A_402 = vector.shape_cast %parallel_loop3A_401 : vector<16xf32> to vector<16xf32>
        %parallel_loop3A_403 = arith.mulf %parallel_loop3A_402, %get3A_294 : vector<16xf32>
        %parallel_loop3A_404 = arith.constant 112 : i32
        %parallel_loop3A_405 = arith.addi %parallel_loop3A_361, %parallel_loop3A_404 : i32
        %parallel_loop3A_406 = arith.index_cast %parallel_loop3A_405 : i32 to index
        %parallel_loop3A_407 = tpu.vector_load %arg6[%parallel_loop3A_406] {strides = array<i32>} : memref<49152xf32, #tpu.memory_space<vmem>>, vector<16xf32>,
        %parallel_loop3A_408 = vector.shape_cast %parallel_loop3A_407 : vector<16xf32> to vector<16xf32>
        %parallel_loop3A_409 = arith.mulf %parallel_loop3A_408, %get3A_297 : vector<16xf32>
        %parallel_loop3A_410 = arith.constant 128 : i32
        %parallel_loop3A_411 = arith.addi %parallel_loop3A_361, %parallel_loop3A_410 : i32
        %parallel_loop3A_412 = arith.index_cast %parallel_loop3A_411 : i32 to index
        %parallel_loop3A_413 = tpu.vector_load %arg6[%parallel_loop3A_412] {strides = array<i32>} : memref<49152xf32, #tpu.memory_space<vmem>>, vector<16xf32>,
        %parallel_loop3A_414 = vector.shape_cast %parallel_loop3A_413 : vector<16xf32> to vector<16xf32>
        %parallel_loop3A_415 = arith.mulf %parallel_loop3A_414, %get3A_300 : vector<16xf32>
        %parallel_loop3A_416 = arith.addf %parallel_loop3A_367, %parallel_loop3A_415 : vector<16xf32>
        %parallel_loop3A_417 = arith.constant 144 : i32
        %parallel_loop3A_418 = arith.addi %parallel_loop3A_361, %parallel_loop3A_417 : i32
        %parallel_loop3A_419 = arith.index_cast %parallel_loop3A_418 : i32 to index
        %parallel_loop3A_420 = tpu.vector_load %arg6[%parallel_loop3A_419] {strides = array<i32>} : memref<49152xf32, #tpu.memory_space<vmem>>, vector<16xf32>,
        %parallel_loop3A_421 = vector.shape_cast %parallel_loop3A_420 : vector<16xf32> to vector<16xf32>
        %parallel_loop3A_422 = arith.mulf %parallel_loop3A_421, %get3A_303 : vector<16xf32>
        %parallel_loop3A_423 = arith.addf %parallel_loop3A_373, %parallel_loop3A_422 : vector<16xf32>
        %parallel_loop3A_424 = arith.constant 160 : i32
        %parallel_loop3A_425 = arith.addi %parallel_loop3A_361, %parallel_loop3A_424 : i32
        %parallel_loop3A_426 = arith.index_cast %parallel_loop3A_425 : i32 to index
        %parallel_loop3A_427 = tpu.vector_load %arg6[%parallel_loop3A_426] {strides = array<i32>} : memref<49152xf32, #tpu.memory_space<vmem>>, vector<16xf32>,
        %parallel_loop3A_428 = vector.shape_cast %parallel_loop3A_427 : vector<16xf32> to vector<16xf32>
        %parallel_loop3A_429 = arith.mulf %parallel_loop3A_428, %get3A_306 : vector<16xf32>
        %parallel_loop3A_430 = arith.addf %parallel_loop3A_379, %parallel_loop3A_429 : vector<16xf32>
        %parallel_loop3A_431 = arith.constant 176 : i32
        %parallel_loop3A_432 = arith.addi %parallel_loop3A_361, %parallel_loop3A_431 : i32
        %parallel_loop3A_433 = arith.index_cast %parallel_loop3A_432 : i32 to index
        %parallel_loop3A_434 = tpu.vector_load %arg6[%parallel_loop3A_433] {strides = array<i32>} : memref<49152xf32, #tpu.memory_space<vmem>>, vector<16xf32>,
        %parallel_loop3A_435 = vector.shape_cast %parallel_loop3A_434 : vector<16xf32> to vector<16xf32>
        %parallel_loop3A_436 = arith.mulf %parallel_loop3A_435, %get3A_309 : vector<16xf32>
        %parallel_loop3A_437 = arith.addf %parallel_loop3A_385, %parallel_loop3A_436 : vector<16xf32>
        %parallel_loop3A_438 = arith.constant 192 : i32
        %parallel_loop3A_439 = arith.addi %parallel_loop3A_361, %parallel_loop3A_438 : i32
        %parallel_loop3A_440 = arith.index_cast %parallel_loop3A_439 : i32 to index
        %parallel_loop3A_441 = tpu.vector_load %arg6[%parallel_loop3A_440] {strides = array<i32>} : memref<49152xf32, #tpu.memory_space<vmem>>, vector<16xf32>,
        %parallel_loop3A_442 = vector.shape_cast %parallel_loop3A_441 : vector<16xf32> to vector<16xf32>
        %parallel_loop3A_443 = arith.mulf %parallel_loop3A_442, %get3A_312 : vector<16xf32>
        %parallel_loop3A_444 = arith.addf %parallel_loop3A_391, %parallel_loop3A_443 : vector<16xf32>
        %parallel_loop3A_445 = arith.constant 208 : i32
        %parallel_loop3A_446 = arith.addi %parallel_loop3A_361, %parallel_loop3A_445 : i32
        %parallel_loop3A_447 = arith.index_cast %parallel_loop3A_446 : i32 to index
        %parallel_loop3A_448 = tpu.vector_load %arg6[%parallel_loop3A_447] {strides = array<i32>} : memref<49152xf32, #tpu.memory_space<vmem>>, vector<16xf32>,
        %parallel_loop3A_449 = vector.shape_cast %parallel_loop3A_448 : vector<16xf32> to vector<16xf32>
        %parallel_loop3A_450 = arith.mulf %parallel_loop3A_449, %get3A_315 : vector<16xf32>
        %parallel_loop3A_451 = arith.addf %parallel_loop3A_397, %parallel_loop3A_450 : vector<16xf32>
        %parallel_loop3A_452 = arith.constant 224 : i32
        %parallel_loop3A_453 = arith.addi %parallel_loop3A_361, %parallel_loop3A_452 : i32
        %parallel_loop3A_454 = arith.index_cast %parallel_loop3A_453 : i32 to index
        %parallel_loop3A_455 = tpu.vector_load %arg6[%parallel_loop3A_454] {strides = array<i32>} : memref<49152xf32, #tpu.memory_space<vmem>>, vector<16xf32>,
        %parallel_loop3A_456 = vector.shape_cast %parallel_loop3A_455 : vector<16xf32> to vector<16xf32>
        %parallel_loop3A_457 = arith.mulf %parallel_loop3A_456, %get3A_318 : vector<16xf32>
        %parallel_loop3A_458 = arith.addf %parallel_loop3A_403, %parallel_loop3A_457 : vector<16xf32>
        %parallel_loop3A_459 = arith.constant 240 : i32
        %parallel_loop3A_460 = arith.addi %parallel_loop3A_361, %parallel_loop3A_459 : i32
        %parallel_loop3A_461 = arith.index_cast %parallel_loop3A_460 : i32 to index
        %parallel_loop3A_462 = tpu.vector_load %arg6[%parallel_loop3A_461] {strides = array<i32>} : memref<49152xf32, #tpu.memory_space<vmem>>, vector<16xf32>,
        %parallel_loop3A_463 = vector.shape_cast %parallel_loop3A_462 : vector<16xf32> to vector<16xf32>
        %parallel_loop3A_464 = arith.mulf %parallel_loop3A_463, %get3A_321 : vector<16xf32>
        %parallel_loop3A_465 = arith.addf %parallel_loop3A_409, %parallel_loop3A_464 : vector<16xf32>
        %parallel_loop3A_466 = arith.constant 256 : i32
        %parallel_loop3A_467 = arith.addi %parallel_loop3A_361, %parallel_loop3A_466 : i32
        %parallel_loop3A_468 = arith.index_cast %parallel_loop3A_467 : i32 to index
        %parallel_loop3A_469 = tpu.vector_load %arg6[%parallel_loop3A_468] {strides = array<i32>} : memref<49152xf32, #tpu.memory_space<vmem>>, vector<16xf32>,
        %parallel_loop3A_470 = vector.shape_cast %parallel_loop3A_469 : vector<16xf32> to vector<16xf32>
        %parallel_loop3A_471 = arith.mulf %parallel_loop3A_470, %get3A_324 : vector<16xf32>
        %parallel_loop3A_472 = arith.addf %parallel_loop3A_416, %parallel_loop3A_471 : vector<16xf32>
        %parallel_loop3A_473 = arith.constant 272 : i32
        %parallel_loop3A_474 = arith.addi %parallel_loop3A_361, %parallel_loop3A_473 : i32
        %parallel_loop3A_475 = arith.index_cast %parallel_loop3A_474 : i32 to index
        %parallel_loop3A_476 = tpu.vector_load %arg6[%parallel_loop3A_475] {strides = array<i32>} : memref<49152xf32, #tpu.memory_space<vmem>>, vector<16xf32>,
        %parallel_loop3A_477 = vector.shape_cast %parallel_loop3A_476 : vector<16xf32> to vector<16xf32>
        %parallel_loop3A_478 = arith.mulf %parallel_loop3A_477, %get3A_327 : vector<16xf32>
        %parallel_loop3A_479 = arith.addf %parallel_loop3A_423, %parallel_loop3A_478 : vector<16xf32>
        %parallel_loop3A_480 = arith.constant 288 : i32
        %parallel_loop3A_481 = arith.addi %parallel_loop3A_361, %parallel_loop3A_480 : i32
        %parallel_loop3A_482 = arith.index_cast %parallel_loop3A_481 : i32 to index
        %parallel_loop3A_483 = tpu.vector_load %arg6[%parallel_loop3A_482] {strides = array<i32>} : memref<49152xf32, #tpu.memory_space<vmem>>, vector<16xf32>,
        %parallel_loop3A_484 = vector.shape_cast %parallel_loop3A_483 : vector<16xf32> to vector<16xf32>
        %parallel_loop3A_485 = arith.mulf %parallel_loop3A_484, %get3A_330 : vector<16xf32>
        %parallel_loop3A_486 = arith.addf %parallel_loop3A_430, %parallel_loop3A_485 : vector<16xf32>
        %parallel_loop3A_487 = arith.constant 304 : i32
        %parallel_loop3A_488 = arith.addi %parallel_loop3A_361, %parallel_loop3A_487 : i32
        %parallel_loop3A_489 = arith.index_cast %parallel_loop3A_488 : i32 to index
        %parallel_loop3A_490 = tpu.vector_load %arg6[%parallel_loop3A_489] {strides = array<i32>} : memref<49152xf32, #tpu.memory_space<vmem>>, vector<16xf32>,
        %parallel_loop3A_491 = vector.shape_cast %parallel_loop3A_490 : vector<16xf32> to vector<16xf32>
        %parallel_loop3A_492 = arith.mulf %parallel_loop3A_491, %get3A_333 : vector<16xf32>
        %parallel_loop3A_493 = arith.addf %parallel_loop3A_437, %parallel_loop3A_492 : vector<16xf32>
        %parallel_loop3A_494 = arith.constant 320 : i32
        %parallel_loop3A_495 = arith.addi %parallel_loop3A_361, %parallel_loop3A_494 : i32
        %parallel_loop3A_496 = arith.index_cast %parallel_loop3A_495 : i32 to index
        %parallel_loop3A_497 = tpu.vector_load %arg6[%parallel_loop3A_496] {strides = array<i32>} : memref<49152xf32, #tpu.memory_space<vmem>>, vector<16xf32>,
        %parallel_loop3A_498 = vector.shape_cast %parallel_loop3A_497 : vector<16xf32> to vector<16xf32>
        %parallel_loop3A_499 = arith.mulf %parallel_loop3A_498, %get3A_336 : vector<16xf32>
        %parallel_loop3A_500 = arith.addf %parallel_loop3A_444, %parallel_loop3A_499 : vector<16xf32>
        %parallel_loop3A_501 = arith.constant 336 : i32
        %parallel_loop3A_502 = arith.addi %parallel_loop3A_361, %parallel_loop3A_501 : i32
        %parallel_loop3A_503 = arith.index_cast %parallel_loop3A_502 : i32 to index
        %parallel_loop3A_504 = tpu.vector_load %arg6[%parallel_loop3A_503] {strides = array<i32>} : memref<49152xf32, #tpu.memory_space<vmem>>, vector<16xf32>,
        %parallel_loop3A_505 = vector.shape_cast %parallel_loop3A_504 : vector<16xf32> to vector<16xf32>
        %parallel_loop3A_506 = arith.mulf %parallel_loop3A_505, %get3A_339 : vector<16xf32>
        %parallel_loop3A_507 = arith.addf %parallel_loop3A_451, %parallel_loop3A_506 : vector<16xf32>
        %parallel_loop3A_508 = arith.constant 352 : i32
        %parallel_loop3A_509 = arith.addi %parallel_loop3A_361, %parallel_loop3A_508 : i32
        %parallel_loop3A_510 = arith.index_cast %parallel_loop3A_509 : i32 to index
        %parallel_loop3A_511 = tpu.vector_load %arg6[%parallel_loop3A_510] {strides = array<i32>} : memref<49152xf32, #tpu.memory_space<vmem>>, vector<16xf32>,
        %parallel_loop3A_512 = vector.shape_cast %parallel_loop3A_511 : vector<16xf32> to vector<16xf32>
        %parallel_loop3A_513 = arith.mulf %parallel_loop3A_512, %get3A_342 : vector<16xf32>
        %parallel_loop3A_514 = arith.addf %parallel_loop3A_458, %parallel_loop3A_513 : vector<16xf32>
        %parallel_loop3A_515 = arith.constant 368 : i32
        %parallel_loop3A_516 = arith.addi %parallel_loop3A_361, %parallel_loop3A_515 : i32
        %parallel_loop3A_517 = arith.index_cast %parallel_loop3A_516 : i32 to index
        %parallel_loop3A_518 = tpu.vector_load %arg6[%parallel_loop3A_517] {strides = array<i32>} : memref<49152xf32, #tpu.memory_space<vmem>>, vector<16xf32>,
        %parallel_loop3A_519 = vector.shape_cast %parallel_loop3A_518 : vector<16xf32> to vector<16xf32>
        %parallel_loop3A_520 = arith.mulf %parallel_loop3A_519, %get3A_345 : vector<16xf32>
        %parallel_loop3A_521 = arith.addf %parallel_loop3A_465, %parallel_loop3A_520 : vector<16xf32>
        %parallel_loop3A_522 = arith.addf %parallel_loop3A_472, %parallel_loop3A_479 : vector<16xf32>
        %parallel_loop3A_523 = arith.addf %parallel_loop3A_486, %parallel_loop3A_493 : vector<16xf32>
        %parallel_loop3A_524 = arith.addf %parallel_loop3A_500, %parallel_loop3A_507 : vector<16xf32>
        %parallel_loop3A_525 = arith.addf %parallel_loop3A_514, %parallel_loop3A_521 : vector<16xf32>
        %parallel_loop3A_526 = arith.addf %parallel_loop3A_522, %parallel_loop3A_523 : vector<16xf32>
        %parallel_loop3A_527 = arith.addf %parallel_loop3A_524, %parallel_loop3A_525 : vector<16xf32>
        %parallel_loop3A_528 = arith.addf %parallel_loop3A_526, %parallel_loop3A_527 : vector<16xf32>
        %parallel_loop3A_529 = arith.constant 64 : i32
        %parallel_loop3A_530 = arith.muli %add3A_198, %parallel_loop3A_529 : i32
        %parallel_loop3A_531 = arith.addi %parallel_loop3A_530, %parallel_loop3A_357 : i32
        %parallel_loop3A_532 = arith.constant 16 : i32
        %parallel_loop3A_533 = arith.muli %parallel_loop3A_531, %parallel_loop3A_532 : i32
        %parallel_loop3A_534 = arith.index_cast %parallel_loop3A_533 : i32 to index
        %parallel_loop3A_535 = tpu.vector_load %arg8[%parallel_loop3A_534] {strides = array<i32>} : memref<12288xf32, #tpu.memory_space<vmem>>, vector<16xf32>,
        %parallel_loop3A_536 = vector.shape_cast %parallel_loop3A_535 : vector<16xf32> to vector<16xf32>
        %parallel_loop3A_537 = arith.addf %parallel_loop3A_536, %parallel_loop3A_528 : vector<16xf32>
        %parallel_loop3A_538 = arith.index_cast %parallel_loop3A_533 : i32 to index
        %parallel_loop3A_539 = tpu.vector_load %arg8[%parallel_loop3A_538] {strides = array<i32>} : memref<12288xf32, #tpu.memory_space<vmem>>, vector<16xf32>,
        %parallel_loop3A_540 = vector.shape_cast %parallel_loop3A_539 : vector<16xf32> to vector<16xf32>
        %parallel_loop3A_541 = vector.shape_cast %parallel_loop3A_537 : vector<16xf32> to vector<16xf32>
        tpu.vector_store %arg8[%parallel_loop3A_538], %parallel_loop3A_541 {strides = array<i32>} : memref<12288xf32, #tpu.memory_space<vmem>>, vector<16xf32>,
      } {sc.loop_unroll_factor = 2 : i64, sc.parallel_access}
      %add3A_349 = arith.constant 3 : i32
      %add3A_350 = arith.addi %mul3A_34, %add3A_349 : i32
      %lt3A_351 = arith.constant 12 : i32
      %lt3A_352 = arith.cmpi slt, %add3A_350, %lt3A_351 : i32
      %convert_element_type3A_353 = arith.extui %lt3A_352 : i1 to i32
      %cond3A_354 = arith.constant 0 : i32
      %cond3A_355 = arith.cmpi ne, %convert_element_type3A_353, %cond3A_354 : i32
      scf.if %cond3A_355 {
        %mul3A_357 = arith.constant 64 : i32
        %mul3A_358 = arith.muli %add3A_350, %mul3A_357 : i32
        %add3A_359 = arith.addi %add3A, %mul3A_358 : i32
        %mul3A_360 = arith.constant 768 : i32
        %mul3A_361 = arith.muli %add3A_359, %mul3A_360 : i32
        %dma_start3A = tpu.memref_slice %arg2[%mul3A_361] : memref<18874368xf32, #tpu.memory_space<hbm>> -> memref<49152xf32, #tpu.memory_space<hbm>>
        %dma_start3A_362 = tpu.memref_slice %arg2[%mul3A_361] : memref<18874368xf32, #tpu.memory_space<hbm>> -> memref<49152xf32, #tpu.memory_space<hbm>>
        tpu.enqueue_dma source(%dma_start3A_362 : memref<49152xf32, #tpu.memory_space<hbm>>) target(%arg6 : memref<49152xf32, #tpu.memory_space<vmem>>) target_semaphore(%arg9 : memref<!tpu.dma_semaphore, #tpu.memory_space<semaphore_mem>>)
      } else {
      }
      %scan3A_356 = arith.constant 0 : i32
      scf.yield %scan3A_356 : i32
    }
    %scan3A_21 = arith.constant 6 : i32
    %mul3A_22 = arith.constant 3 : i32
    %mul3A_23 = arith.muli %arg0, %mul3A_22 : i32
    %mul3A_24 = arith.constant 4096 : i32
    %mul3A_25 = arith.muli %mul3A_23, %mul3A_24 : i32
    %mul3A_26 = arith.constant 768 : i32
    %mul3A_27 = arith.muli %arg1, %mul3A_26 : i32
    %add3A_28 = arith.addi %mul3A_25, %mul3A_27 : i32
    %mul3A_29 = arith.constant 16 : i32
    %mul3A_30 = arith.muli %add3A_28, %mul3A_29 : i32
    "tpu.region"() ({
      %run_scoped3A = tpu.sem_alloc : memref<!tpu.dma_semaphore, #tpu.memory_space<semaphore_mem>>
      %dma_start3A = tpu.memref_slice %arg4[%mul3A_30] : memref<393216xf32, #tpu.memory_space<hbm>> -> memref<12288xf32, #tpu.memory_space<hbm>>
      %dma_start3A_31 = tpu.memref_slice %arg4[%mul3A_30] : memref<393216xf32, #tpu.memory_space<hbm>> -> memref<12288xf32, #tpu.memory_space<hbm>>
      tpu.enqueue_dma source(%arg8 : memref<12288xf32, #tpu.memory_space<vmem>>) target(%dma_start3A_31 : memref<12288xf32, #tpu.memory_space<hbm>>) target_semaphore(%run_scoped3A : memref<!tpu.dma_semaphore, #tpu.memory_space<semaphore_mem>>)
      %dma_wait3A = tpu.memref_slice %arg4[%mul3A_30] : memref<393216xf32, #tpu.memory_space<hbm>> -> memref<12288xf32, #tpu.memory_space<hbm>>
      %dma_wait3A_32 = tpu.memref_slice %arg4[%mul3A_30] : memref<393216xf32, #tpu.memory_space<hbm>> -> memref<12288xf32, #tpu.memory_space<hbm>>
      tpu.wait_dma2 semaphore(%run_scoped3A : memref<!tpu.dma_semaphore, #tpu.memory_space<semaphore_mem>>) src(%arg8 : memref<12288xf32, #tpu.memory_space<vmem>>) dst(%dma_wait3A_32 : memref<12288xf32, #tpu.memory_space<hbm>>)
      tpu.yield
    }) : () -> ()
    return
  }
}

module attributes {stable_mosaic.version = 14 : i64} {
  func.func @_tc_body(%arg0: i32, %arg1: memref<1x4096x768xf32, #tpu.memory_space<vmem>>, %arg2: memref<1x1x4096xi32, #tpu.memory_space<vmem>>, %arg3: memref<1x4096x1xi32, #tpu.memory_space<vmem>>, %arg4: memref<1x64x32xf32, #tpu.memory_space<vmem>>, %arg5: memref<1x768xf32, #tpu.memory_space<vmem>>, %arg6: memref<1x1xf32, #tpu.memory_space<smem>>, %arg7: memref<1x1x32xf32, #tpu.memory_space<vmem>>) attributes {dimension_semantics = [#tpu.dimension_semantics<arbitrary>], iteration_bounds = array<i64: 10>, scalar_prefetch = 0 : i64, scratch_operands = 0 : i64, tpu.core_type = #tpu.core_type<tc>, window_params = [{transform_indices = @transform_0, window_bounds = array<i64: 1, 4096, 768>}, {transform_indices = @transform_1, window_bounds = array<i64: 1, 1, 4096>}, {transform_indices = @transform_2, window_bounds = array<i64: 1, 4096, 1>}, {transform_indices = @transform_3, window_bounds = array<i64: 1, 64, 32>}, {pipeline_mode = #tpu.pipeline_mode<synchronous>, transform_indices = @transform_4, window_bounds = array<i64: 1, 768>}, {transform_indices = @transform_5, window_bounds = array<i64: 1, 1>}, {transform_indices = @transform_6, window_bounds = array<i64: 1, 1, 32>}]} {
    %get3A = arith.constant 0 : index
    %get3A_0 = arith.constant 0 : index
    %get3A_1 = arith.constant 0 : index
    %get3A_2 = vector.load %arg1[%get3A, %get3A_0, %get3A_1] : memref<1x4096x768xf32, #tpu.memory_space<vmem>>, vector<1x4096x768xf32>
    %get3A_3 = vector.shape_cast %get3A_2 : vector<1x4096x768xf32> to vector<4096x768xf32>
    %get3A_4 = arith.constant 0 : index
    %get3A_5 = arith.constant 0 : index
    %get3A_6 = vector.load %arg5[%get3A_4, %get3A_5] : memref<1x768xf32, #tpu.memory_space<vmem>>, vector<1x768xf32>
    %mul3A = vector.broadcast %get3A_6 : vector<1x768xf32> to vector<4096x768xf32>
    %mul3A_7 = arith.mulf %get3A_3, %mul3A : vector<4096x768xf32>
    %reduce_sum3A = arith.constant dense<0.000000e+00> : vector<4096xf32>
    %reduce_sum3A_8 = vector.multi_reduction <add>, %mul3A_7, %reduce_sum3A [1] : vector<4096x768xf32> to vector<4096xf32>
    %broadcast_in_dim3A = vector.shape_cast %reduce_sum3A_8 : vector<4096xf32> to vector<4096x1xf32>
    %get3A_9 = arith.constant 0 : index
    %get3A_10 = arith.constant 0 : index
    %get3A_11 = arith.constant 0 : index
    %get3A_12 = vector.load %arg2[%get3A_9, %get3A_10, %get3A_11] : memref<1x1x4096xi32, #tpu.memory_space<vmem>>, vector<1x1x4096xi32>
    %get3A_13 = vector.shape_cast %get3A_12 : vector<1x1x4096xi32> to vector<1x4096xi32>
    %get3A_14 = arith.constant 0 : index
    %get3A_15 = arith.constant 0 : index
    %get3A_16 = arith.constant 0 : index
    %get3A_17 = vector.load %arg3[%get3A_14, %get3A_15, %get3A_16] : memref<1x4096x1xi32, #tpu.memory_space<vmem>>, vector<1x4096x1xi32>
    %get3A_18 = vector.shape_cast %get3A_17 : vector<1x4096x1xi32> to vector<4096x1xi32>
    %shift_right_arithmetic3A = arith.constant 5 : i32
    %shift_right_arithmetic3A_19 = vector.broadcast %shift_right_arithmetic3A : i32 to vector<1x4096xi32>
    %shift_right_arithmetic3A_20 = arith.shrsi %get3A_13, %shift_right_arithmetic3A_19 : vector<1x4096xi32>
    %and3A = arith.constant 31 : i32
    %and3A_21 = vector.broadcast %and3A : i32 to vector<4096x1xi32>
    %and3A_22 = arith.andi %get3A_18, %and3A_21 : vector<4096x1xi32>
    %iota3A = tpu.iota {dimensions = array<i32: 0>} : vector<64x4096xi32>
    %eq3A = vector.broadcast %shift_right_arithmetic3A_20 : vector<1x4096xi32> to vector<64x4096xi32>
    %eq3A_23 = arith.cmpi eq, %iota3A, %eq3A : vector<64x4096xi32>
    %convert_element_type3A = arith.extui %eq3A_23 : vector<64x4096xi1> to vector<64x4096xi32>
    %convert_element_type3A_24 = arith.sitofp %convert_element_type3A : vector<64x4096xi32> to vector<64x4096xf32>
    %iota3A_25 = tpu.iota {dimensions = array<i32: 1>} : vector<4096x32xi32>
    %eq3A_26 = vector.broadcast %and3A_22 : vector<4096x1xi32> to vector<4096x32xi32>
    %eq3A_27 = arith.cmpi eq, %iota3A_25, %eq3A_26 : vector<4096x32xi32>
    %convert_element_type3A_28 = arith.extui %eq3A_27 : vector<4096x32xi1> to vector<4096x32xi32>
    %convert_element_type3A_29 = arith.sitofp %convert_element_type3A_28 : vector<4096x32xi32> to vector<4096x32xf32>
    %mul3A_30 = vector.broadcast %broadcast_in_dim3A : vector<4096x1xf32> to vector<4096x32xf32>
    %mul3A_31 = arith.mulf %convert_element_type3A_29, %mul3A_30 : vector<4096x32xf32>
    %concatenate3A = tpu.concatenate %mul3A_31, %convert_element_type3A_29 in 1 : vector<4096x32xf32>, vector<4096x32xf32> -> vector<4096x64xf32>
    %dot_general3A = arith.constant dense<0.000000e+00> : vector<64x64xf32>
    %dot_general3A_32 = tpu.matmul %convert_element_type3A_24, %concatenate3A, %dot_general3A {dimension_numbers = #tpu.dot_dimension_numbers<[1], [0], [0], [1], [0, 0, 1, 1], [], []>, transpose_lhs_hint = false} : vector<64x4096xf32>, vector<4096x64xf32>, vector<64x64xf32> -> vector<64x64xf32>
    %get3A_33 = arith.constant 0 : index
    %get3A_34 = arith.constant 0 : index
    %get3A_35 = memref.load %arg6[%get3A_33, %get3A_34] : memref<1x1xf32, #tpu.memory_space<smem>>
    %slice3A = vector.extract_strided_slice %dot_general3A_32 {offsets = [0, 0], sizes = [64, 32], strides = [1, 1]} : vector<64x64xf32> to vector<64x32xf32>
    %slice3A_36 = vector.extract_strided_slice %dot_general3A_32 {offsets = [0, 32], sizes = [64, 32], strides = [1, 1]} : vector<64x64xf32> to vector<64x32xf32>
    %gt3A = arith.constant 0.000000e+00 : f32
    %gt3A_37 = vector.broadcast %gt3A : f32 to vector<64x32xf32>
    %gt3A_38 = arith.cmpf ogt, %slice3A_36, %gt3A_37 : vector<64x32xf32>
    %max3A = arith.constant 1.000000e+00 : f32
    %max3A_39 = vector.broadcast %max3A : f32 to vector<64x32xf32>
    %max3A_40 = arith.maximumf %slice3A_36, %max3A_39 : vector<64x32xf32>
    %div3A = arith.divf %slice3A, %max3A_40 : vector<64x32xf32>
    %add3A = vector.broadcast %get3A_35 : f32 to vector<64x32xf32>
    %add3A_41 = arith.addf %div3A, %add3A : vector<64x32xf32>
    %jit3A = arith.constant 0.000000e+00 : f32
    %broadcast_in_dim3A_42 = vector.broadcast %jit3A : f32 to vector<64x32xf32>
    %select_n3A = arith.select %gt3A_38, %add3A_41, %broadcast_in_dim3A_42 : vector<64x32xi1>, vector<64x32xf32>
    %get3A_43 = arith.constant 0 : index
    %get3A_44 = arith.constant 0 : index
    %get3A_45 = arith.constant 0 : index
    %get3A_46 = vector.load %arg4[%get3A_43, %get3A_44, %get3A_45] : memref<1x64x32xf32, #tpu.memory_space<vmem>>, vector<1x64x32xf32>
    %get3A_47 = vector.shape_cast %get3A_46 : vector<1x64x32xf32> to vector<64x32xf32>
    %mul3A_48 = arith.mulf %select_n3A, %get3A_47 : vector<64x32xf32>
    %reduce_sum3A_49 = arith.constant dense<0.000000e+00> : vector<32xf32>
    %reduce_sum3A_50 = vector.multi_reduction <add>, %mul3A_48, %reduce_sum3A_49 [0] : vector<64x32xf32> to vector<32xf32>
    %broadcast_in_dim3A_51 = vector.shape_cast %reduce_sum3A_50 : vector<32xf32> to vector<1x32xf32>
    %reduce_sum3A_52 = arith.constant dense<0.000000e+00> : vector<32xf32>
    %reduce_sum3A_53 = vector.multi_reduction <add>, %get3A_47, %reduce_sum3A_52 [0] : vector<64x32xf32> to vector<32xf32>
    %broadcast_in_dim3A_54 = vector.shape_cast %reduce_sum3A_53 : vector<32xf32> to vector<1x32xf32>
    %add3A_55 = arith.constant 1.000000e-10 : f32
    %add3A_56 = vector.broadcast %add3A_55 : f32 to vector<1x32xf32>
    %add3A_57 = arith.addf %broadcast_in_dim3A_54, %add3A_56 : vector<1x32xf32>
    %div3A_58 = arith.divf %broadcast_in_dim3A_51, %add3A_57 : vector<1x32xf32>
    %iota3A_59 = tpu.iota {dimensions = array<i32: 1>} : vector<1x32xi32>
    %lt3A = arith.constant 5.000000e-01 : f32
    %lt3A_60 = vector.broadcast %lt3A : f32 to vector<1x32xf32>
    %lt3A_61 = arith.cmpf olt, %broadcast_in_dim3A_54, %lt3A_60 : vector<1x32xf32>
    %ne3A = arith.constant 0 : i32
    %ne3A_62 = vector.broadcast %ne3A : i32 to vector<1x32xi32>
    %ne3A_63 = arith.cmpi ne, %iota3A_59, %ne3A_62 : vector<1x32xi32>
    %and3A_64 = arith.andi %lt3A_61, %ne3A_63 : vector<1x32xi1>
    %convert_element_type3A_65 = arith.extui %and3A_64 : vector<1x32xi1> to vector<1x32xi32>
    %convert_element_type3A_66 = arith.sitofp %convert_element_type3A_65 : vector<1x32xi32> to vector<1x32xf32>
    %mul3A_67 = arith.constant -1.000000e+04 : f32
    %mul3A_68 = vector.broadcast %mul3A_67 : f32 to vector<1x32xf32>
    %mul3A_69 = arith.mulf %mul3A_68, %convert_element_type3A_66 : vector<1x32xf32>
    %add3A_70 = arith.addf %div3A_58, %mul3A_69 : vector<1x32xf32>
    %eq3A_71 = arith.constant 0 : i32
    %eq3A_72 = vector.broadcast %eq3A_71 : i32 to vector<1x32xi32>
    %eq3A_73 = arith.cmpi eq, %iota3A_59, %eq3A_72 : vector<1x32xi32>
    %convert_element_type3A_74 = arith.extui %eq3A_73 : vector<1x32xi1> to vector<1x32xi32>
    %convert_element_type3A_75 = arith.sitofp %convert_element_type3A_74 : vector<1x32xi32> to vector<1x32xf32>
    %mul3A_76 = arith.constant -1.000000e+04 : f32
    %mul3A_77 = vector.broadcast %mul3A_76 : f32 to vector<1x32xf32>
    %mul3A_78 = arith.mulf %mul3A_77, %convert_element_type3A_75 : vector<1x32xf32>
    %add3A_79 = arith.addf %add3A_70, %mul3A_78 : vector<1x32xf32>
    %swap3A = arith.constant 0 : index
    %swap3A_80 = arith.constant 0 : index
    %swap3A_81 = arith.constant 0 : index
    %swap3A_82 = vector.load %arg7[%swap3A, %swap3A_80, %swap3A_81] : memref<1x1x32xf32, #tpu.memory_space<vmem>>, vector<1x1x32xf32>
    %swap3A_83 = vector.shape_cast %swap3A_82 : vector<1x1x32xf32> to vector<1x32xf32>
    %swap3A_84 = vector.shape_cast %add3A_79 : vector<1x32xf32> to vector<1x1x32xf32>
    tpu.vector_store %arg7[%swap3A, %swap3A_80, %swap3A_81], %swap3A_84 {strides = array<i32>} : memref<1x1x32xf32, #tpu.memory_space<vmem>>, vector<1x1x32xf32>,
    return
  }
  func.func @transform_0(%arg0: i32) -> (i32, i32, i32) {
    %c0_i32 = arith.constant 0 : i32
    %c0_i32_0 = arith.constant 0 : i32
    %c0_i32_1 = arith.constant 0 : i32
    return %arg0, %c0_i32, %c0_i32_0 : i32, i32, i32
  }
  func.func @transform_1(%arg0: i32) -> (i32, i32, i32) {
    %c0_i32 = arith.constant 0 : i32
    %c0_i32_0 = arith.constant 0 : i32
    %c0_i32_1 = arith.constant 0 : i32
    return %arg0, %c0_i32, %c0_i32_0 : i32, i32, i32
  }
  func.func @transform_2(%arg0: i32) -> (i32, i32, i32) {
    %c0_i32 = arith.constant 0 : i32
    %c0_i32_0 = arith.constant 0 : i32
    %c0_i32_1 = arith.constant 0 : i32
    return %arg0, %c0_i32, %c0_i32_0 : i32, i32, i32
  }
  func.func @transform_3(%arg0: i32) -> (i32, i32, i32) {
    %c0_i32 = arith.constant 0 : i32
    %c0_i32_0 = arith.constant 0 : i32
    %c0_i32_1 = arith.constant 0 : i32
    return %arg0, %c0_i32, %c0_i32_0 : i32, i32, i32
  }
  func.func @transform_4(%arg0: i32) -> (i32, i32) {
    %c0_i32 = arith.constant 0 : i32
    %c0_i32_0 = arith.constant 0 : i32
    %c0_i32_1 = arith.constant 0 : i32
    return %c0_i32, %c0_i32_0 : i32, i32
  }
  func.func @transform_5(%arg0: i32) -> (i32, i32) {
    %c0_i32 = arith.constant 0 : i32
    %c0_i32_0 = arith.constant 0 : i32
    %c0_i32_1 = arith.constant 0 : i32
    return %c0_i32, %c0_i32_0 : i32, i32
  }
  func.func @transform_6(%arg0: i32) -> (i32, i32, i32) {
    %c0_i32 = arith.constant 0 : i32
    %c0_i32_0 = arith.constant 0 : i32
    %c0_i32_1 = arith.constant 0 : i32
    return %arg0, %c0_i32, %c0_i32_0 : i32, i32, i32
  }
}

module attributes {stable_mosaic.version = 14 : i64} {
  func.func @_tc_fin_body(%arg0: i32, %arg1: memref<1x4096x16xf32, #tpu.memory_space<vmem>>, %arg2: memref<1x1x4096xi32, #tpu.memory_space<vmem>>, %arg3: memref<1x4096x1xi32, #tpu.memory_space<vmem>>, %arg4: memref<1x64x32xf32, #tpu.memory_space<vmem>>, %arg5: memref<1x1xf32, #tpu.memory_space<smem>>, %arg6: memref<1x1x32xf32, #tpu.memory_space<vmem>>) attributes {dimension_semantics = [#tpu.dimension_semantics<arbitrary>], iteration_bounds = array<i64: 6>, scalar_prefetch = 0 : i64, scratch_operands = 0 : i64, tpu.core_type = #tpu.core_type<tc>, window_params = [{transform_indices = @transform_0, window_bounds = array<i64: 1, 4096, 16>}, {transform_indices = @transform_1, window_bounds = array<i64: 1, 1, 4096>}, {transform_indices = @transform_2, window_bounds = array<i64: 1, 4096, 1>}, {transform_indices = @transform_3, window_bounds = array<i64: 1, 64, 32>}, {transform_indices = @transform_4, window_bounds = array<i64: 1, 1>}, {transform_indices = @transform_5, window_bounds = array<i64: 1, 1, 32>}]} {
    %get3A = arith.constant 0 : index
    %get3A_0 = arith.constant 0 : index
    %get3A_1 = arith.constant 0 : index
    %get3A_2 = vector.load %arg1[%get3A, %get3A_0, %get3A_1] : memref<1x4096x16xf32, #tpu.memory_space<vmem>>, vector<1x4096x16xf32>
    %get3A_3 = vector.shape_cast %get3A_2 : vector<1x4096x16xf32> to vector<4096x16xf32>
    %reduce_sum3A = arith.constant dense<0.000000e+00> : vector<4096xf32>
    %reduce_sum3A_4 = vector.multi_reduction <add>, %get3A_3, %reduce_sum3A [1] : vector<4096x16xf32> to vector<4096xf32>
    %broadcast_in_dim3A = vector.shape_cast %reduce_sum3A_4 : vector<4096xf32> to vector<4096x1xf32>
    %get3A_5 = arith.constant 0 : index
    %get3A_6 = arith.constant 0 : index
    %get3A_7 = arith.constant 0 : index
    %get3A_8 = vector.load %arg2[%get3A_5, %get3A_6, %get3A_7] : memref<1x1x4096xi32, #tpu.memory_space<vmem>>, vector<1x1x4096xi32>
    %get3A_9 = vector.shape_cast %get3A_8 : vector<1x1x4096xi32> to vector<1x4096xi32>
    %get3A_10 = arith.constant 0 : index
    %get3A_11 = arith.constant 0 : index
    %get3A_12 = arith.constant 0 : index
    %get3A_13 = vector.load %arg3[%get3A_10, %get3A_11, %get3A_12] : memref<1x4096x1xi32, #tpu.memory_space<vmem>>, vector<1x4096x1xi32>
    %get3A_14 = vector.shape_cast %get3A_13 : vector<1x4096x1xi32> to vector<4096x1xi32>
    %shift_right_arithmetic3A = arith.constant 5 : i32
    %shift_right_arithmetic3A_15 = vector.broadcast %shift_right_arithmetic3A : i32 to vector<1x4096xi32>
    %shift_right_arithmetic3A_16 = arith.shrsi %get3A_9, %shift_right_arithmetic3A_15 : vector<1x4096xi32>
    %and3A = arith.constant 31 : i32
    %and3A_17 = vector.broadcast %and3A : i32 to vector<4096x1xi32>
    %and3A_18 = arith.andi %get3A_14, %and3A_17 : vector<4096x1xi32>
    %iota3A = tpu.iota {dimensions = array<i32: 0>} : vector<64x4096xi32>
    %eq3A = vector.broadcast %shift_right_arithmetic3A_16 : vector<1x4096xi32> to vector<64x4096xi32>
    %eq3A_19 = arith.cmpi eq, %iota3A, %eq3A : vector<64x4096xi32>
    %convert_element_type3A = arith.extui %eq3A_19 : vector<64x4096xi1> to vector<64x4096xi32>
    %convert_element_type3A_20 = arith.sitofp %convert_element_type3A : vector<64x4096xi32> to vector<64x4096xf32>
    %iota3A_21 = tpu.iota {dimensions = array<i32: 1>} : vector<4096x32xi32>
    %eq3A_22 = vector.broadcast %and3A_18 : vector<4096x1xi32> to vector<4096x32xi32>
    %eq3A_23 = arith.cmpi eq, %iota3A_21, %eq3A_22 : vector<4096x32xi32>
    %convert_element_type3A_24 = arith.extui %eq3A_23 : vector<4096x32xi1> to vector<4096x32xi32>
    %convert_element_type3A_25 = arith.sitofp %convert_element_type3A_24 : vector<4096x32xi32> to vector<4096x32xf32>
    %mul3A = vector.broadcast %broadcast_in_dim3A : vector<4096x1xf32> to vector<4096x32xf32>
    %mul3A_26 = arith.mulf %convert_element_type3A_25, %mul3A : vector<4096x32xf32>
    %concatenate3A = tpu.concatenate %mul3A_26, %convert_element_type3A_25 in 1 : vector<4096x32xf32>, vector<4096x32xf32> -> vector<4096x64xf32>
    %dot_general3A = arith.constant dense<0.000000e+00> : vector<64x64xf32>
    %dot_general3A_27 = tpu.matmul %convert_element_type3A_20, %concatenate3A, %dot_general3A {dimension_numbers = #tpu.dot_dimension_numbers<[1], [0], [0], [1], [0, 0, 1, 1], [], []>, transpose_lhs_hint = false} : vector<64x4096xf32>, vector<4096x64xf32>, vector<64x64xf32> -> vector<64x64xf32>
    %get3A_28 = arith.constant 0 : index
    %get3A_29 = arith.constant 0 : index
    %get3A_30 = memref.load %arg5[%get3A_28, %get3A_29] : memref<1x1xf32, #tpu.memory_space<smem>>
    %slice3A = vector.extract_strided_slice %dot_general3A_27 {offsets = [0, 0], sizes = [64, 32], strides = [1, 1]} : vector<64x64xf32> to vector<64x32xf32>
    %slice3A_31 = vector.extract_strided_slice %dot_general3A_27 {offsets = [0, 32], sizes = [64, 32], strides = [1, 1]} : vector<64x64xf32> to vector<64x32xf32>
    %gt3A = arith.constant 0.000000e+00 : f32
    %gt3A_32 = vector.broadcast %gt3A : f32 to vector<64x32xf32>
    %gt3A_33 = arith.cmpf ogt, %slice3A_31, %gt3A_32 : vector<64x32xf32>
    %max3A = arith.constant 1.000000e+00 : f32
    %max3A_34 = vector.broadcast %max3A : f32 to vector<64x32xf32>
    %max3A_35 = arith.maximumf %slice3A_31, %max3A_34 : vector<64x32xf32>
    %div3A = arith.divf %slice3A, %max3A_35 : vector<64x32xf32>
    %add3A = vector.broadcast %get3A_30 : f32 to vector<64x32xf32>
    %add3A_36 = arith.addf %div3A, %add3A : vector<64x32xf32>
    %jit3A = arith.constant 0.000000e+00 : f32
    %broadcast_in_dim3A_37 = vector.broadcast %jit3A : f32 to vector<64x32xf32>
    %select_n3A = arith.select %gt3A_33, %add3A_36, %broadcast_in_dim3A_37 : vector<64x32xi1>, vector<64x32xf32>
    %get3A_38 = arith.constant 0 : index
    %get3A_39 = arith.constant 0 : index
    %get3A_40 = arith.constant 0 : index
    %get3A_41 = vector.load %arg4[%get3A_38, %get3A_39, %get3A_40] : memref<1x64x32xf32, #tpu.memory_space<vmem>>, vector<1x64x32xf32>
    %get3A_42 = vector.shape_cast %get3A_41 : vector<1x64x32xf32> to vector<64x32xf32>
    %mul3A_43 = arith.mulf %select_n3A, %get3A_42 : vector<64x32xf32>
    %reduce_sum3A_44 = arith.constant dense<0.000000e+00> : vector<32xf32>
    %reduce_sum3A_45 = vector.multi_reduction <add>, %mul3A_43, %reduce_sum3A_44 [0] : vector<64x32xf32> to vector<32xf32>
    %broadcast_in_dim3A_46 = vector.shape_cast %reduce_sum3A_45 : vector<32xf32> to vector<1x32xf32>
    %reduce_sum3A_47 = arith.constant dense<0.000000e+00> : vector<32xf32>
    %reduce_sum3A_48 = vector.multi_reduction <add>, %get3A_42, %reduce_sum3A_47 [0] : vector<64x32xf32> to vector<32xf32>
    %broadcast_in_dim3A_49 = vector.shape_cast %reduce_sum3A_48 : vector<32xf32> to vector<1x32xf32>
    %add3A_50 = arith.constant 1.000000e-10 : f32
    %add3A_51 = vector.broadcast %add3A_50 : f32 to vector<1x32xf32>
    %add3A_52 = arith.addf %broadcast_in_dim3A_49, %add3A_51 : vector<1x32xf32>
    %div3A_53 = arith.divf %broadcast_in_dim3A_46, %add3A_52 : vector<1x32xf32>
    %iota3A_54 = tpu.iota {dimensions = array<i32: 1>} : vector<1x32xi32>
    %lt3A = arith.constant 5.000000e-01 : f32
    %lt3A_55 = vector.broadcast %lt3A : f32 to vector<1x32xf32>
    %lt3A_56 = arith.cmpf olt, %broadcast_in_dim3A_49, %lt3A_55 : vector<1x32xf32>
    %ne3A = arith.constant 0 : i32
    %ne3A_57 = vector.broadcast %ne3A : i32 to vector<1x32xi32>
    %ne3A_58 = arith.cmpi ne, %iota3A_54, %ne3A_57 : vector<1x32xi32>
    %and3A_59 = arith.andi %lt3A_56, %ne3A_58 : vector<1x32xi1>
    %convert_element_type3A_60 = arith.extui %and3A_59 : vector<1x32xi1> to vector<1x32xi32>
    %convert_element_type3A_61 = arith.sitofp %convert_element_type3A_60 : vector<1x32xi32> to vector<1x32xf32>
    %mul3A_62 = arith.constant -1.000000e+04 : f32
    %mul3A_63 = vector.broadcast %mul3A_62 : f32 to vector<1x32xf32>
    %mul3A_64 = arith.mulf %mul3A_63, %convert_element_type3A_61 : vector<1x32xf32>
    %add3A_65 = arith.addf %div3A_53, %mul3A_64 : vector<1x32xf32>
    %eq3A_66 = arith.constant 0 : i32
    %eq3A_67 = vector.broadcast %eq3A_66 : i32 to vector<1x32xi32>
    %eq3A_68 = arith.cmpi eq, %iota3A_54, %eq3A_67 : vector<1x32xi32>
    %convert_element_type3A_69 = arith.extui %eq3A_68 : vector<1x32xi1> to vector<1x32xi32>
    %convert_element_type3A_70 = arith.sitofp %convert_element_type3A_69 : vector<1x32xi32> to vector<1x32xf32>
    %mul3A_71 = arith.constant -1.000000e+04 : f32
    %mul3A_72 = vector.broadcast %mul3A_71 : f32 to vector<1x32xf32>
    %mul3A_73 = arith.mulf %mul3A_72, %convert_element_type3A_70 : vector<1x32xf32>
    %add3A_74 = arith.addf %add3A_65, %mul3A_73 : vector<1x32xf32>
    %swap3A = arith.constant 0 : index
    %swap3A_75 = arith.constant 0 : index
    %swap3A_76 = arith.constant 0 : index
    %swap3A_77 = vector.load %arg6[%swap3A, %swap3A_75, %swap3A_76] : memref<1x1x32xf32, #tpu.memory_space<vmem>>, vector<1x1x32xf32>
    %swap3A_78 = vector.shape_cast %swap3A_77 : vector<1x1x32xf32> to vector<1x32xf32>
    %swap3A_79 = vector.shape_cast %add3A_74 : vector<1x32xf32> to vector<1x1x32xf32>
    tpu.vector_store %arg6[%swap3A, %swap3A_75, %swap3A_76], %swap3A_79 {strides = array<i32>} : memref<1x1x32xf32, #tpu.memory_space<vmem>>, vector<1x1x32xf32>,
    return
  }
  func.func @transform_0(%arg0: i32) -> (i32, i32, i32) {
    %c0_i32 = arith.constant 0 : i32
    %c0_i32_0 = arith.constant 0 : i32
    %c0_i32_1 = arith.constant 0 : i32
    return %arg0, %c0_i32, %c0_i32_0 : i32, i32, i32
  }
  func.func @transform_1(%arg0: i32) -> (i32, i32, i32) {
    %c0_i32 = arith.constant 0 : i32
    %c0_i32_0 = arith.constant 0 : i32
    %c0_i32_1 = arith.constant 0 : i32
    return %arg0, %c0_i32, %c0_i32_0 : i32, i32, i32
  }
  func.func @transform_2(%arg0: i32) -> (i32, i32, i32) {
    %c0_i32 = arith.constant 0 : i32
    %c0_i32_0 = arith.constant 0 : i32
    %c0_i32_1 = arith.constant 0 : i32
    return %arg0, %c0_i32, %c0_i32_0 : i32, i32, i32
  }
  func.func @transform_3(%arg0: i32) -> (i32, i32, i32) {
    %c0_i32 = arith.constant 0 : i32
    %c0_i32_0 = arith.constant 0 : i32
    %c0_i32_1 = arith.constant 0 : i32
    return %arg0, %c0_i32, %c0_i32_0 : i32, i32, i32
  }
  func.func @transform_4(%arg0: i32) -> (i32, i32) {
    %c0_i32 = arith.constant 0 : i32
    %c0_i32_0 = arith.constant 0 : i32
    %c0_i32_1 = arith.constant 0 : i32
    return %c0_i32, %c0_i32_0 : i32, i32
  }
  func.func @transform_5(%arg0: i32) -> (i32, i32, i32) {
    %c0_i32 = arith.constant 0 : i32
    %c0_i32_0 = arith.constant 0 : i32
    %c0_i32_1 = arith.constant 0 : i32
    return %arg0, %c0_i32, %c0_i32_0 : i32, i32, i32
  }
}

</mosaic_0001>

<sc_bundles>
// kernel: kernel.5.cloned.1.call-start
scs
__scs_entry_jumppad:
0x0: {  	(pc) =	sbr.rel $0x88, $3  }
0x1: {  	(tag) =	ssettag $0x0;
	lr =	simm.s32 $0x1  }
0x2: {  	[smem:$0x3F9C] =	sst lr;
	_ =	strace $0xD0000000  }
0x3: {  	_ = 	snop  }
0x4: {  	_ = 	snop  }
0x5: {  	_ = 	snop  }
0x6: {  	_ = 	snop  }
0x7: {  	_ = 	snop  }
__scs_overlays_trampoline_lowered:
0x8: {  	[smem:$0x3FAB] =	sst s0  }
0x9: {  	[smem:$0x3FAC] =	sst s1  }
0xa: {  	[smem:$0x3FAD] =	sst s2  }
0xb: {  	[smem:$0x3FAE] =	sst s3  }
0xc: {  	[smem:$0x3FAF] =	sst s4  }
0xd: {  	[smem:$0x3FB0] =	sst s5  }
0xe: {  	[smem:$0x3FB1] =	sst s6  }
0xf: {  	[smem:$0x3FB2] =	sst s7  }
0x10: {  	[smem:$0x3FB3] =	sst s8  }
0x11: {  	[smem:$0x3FB4] =	sst s9;
	s0 =	simm.s32 @!p0 $0x0  }
0x12: {  	s1 =	sld [smem:$0x3F9A];
	s0 =	simm.s32 @p0 $0x1  }
0x13: {  	[smem:$0x3FB5] =	sst s0;
	s0 =	simm.s32 @!p1 $0x0  }
0x14: {  	s2 =	sld [smem:$0x3F99];
	s0 =	simm.s32 @p1 $0x1  }
0x15: {  	[smem:$0x3FB6] =	sst s0;
	s0 =	simm.s32 @!p2 $0x0  }
0x16: {  	s3 =	sld [smem:$0x3FDB];
	s0 =	simm.s32 @p2 $0x1  }
0x17: {  	s4 =	simm.s32 $0x1BF5;
	[smem:$0x3FB8] =	sst s0  }
0x18: {  	s0 =	sld [smem:$0x3F9B];
	_ =	swait.ge [sflag:s4], $0x0  }
0x19: {  	s7 =	sld [smem:$0x3F9C]  }
0x1a: {  	s8 =	sadd.s32 $0xFFFFE003, lr  }
0x1b: {  	s9 =	sadd.s32 $0xFFFFFEF7, lr;
	s5 =	simm.s32 $0xFFFFFFFF;
	p2 =	slt.u32 s8, $0xFFFFF086  }
0x1c: {  	p1 =	slt.u32 s9, $0xF7A;
	s5 =	simm.s32 @!p2 $0x0  }
0x1d: {  	s5 =	simm.s32 @p1 $0x1;
	p0 =	seq.s32 s7, s2  }
0x1e: {  	s7 =	smul.u32 @!p0 $0xF7A, s2;
	p2 =	seq.s32 @!p0 s5, $0x0  }
0x1f: {  	s9 =	smul.u32 $0xF7A, s1;
	s8 =	simm.s32 @!p0 $0x1BF5;
	p2 =	por !p2, p0  }
0x20: {  	[sflag:s8] =	ssyncset.s32 @!p0 $0xFFFFF086;
	s6 =	sadd.s32 @!p0 s3, s7;
	s7 =	simm.s32 @!p0 $0x108  }
0x21: {  	s3 =	sadd.s32 s3, s9;
	s6 =	sadd.s32 @!p0 $0x88, s6;
	s7 =	simm.s32 @p2 $0x1082  }
0x22: {  	[simem:s7], [sflag:s8] =	dma.local @!p0 [hbm:s6], $0xF7A  }
0x23: {  	s9 =	sor.u32 $0xD0000000, s2;
	s6 =	simm.s32 $0x108;
	_ =	swait.ge @!p0 [sflag:s8], $0x0  }
0x24: {  	s3 =	sadd.s32 $0x88, s3;
	s6 =	simm.s32 @!p1 $0x1082;
	[sflag:s4] =	ssyncset.s32 $0xFFFFF086  }
0x25: {  	[simem:s6], [sflag:s4] =	dma.local [hbm:s3], $0xF7A  }
0x26: {  	[smem:$0x3F9C] =	sst s1;
	(tag) =	ssettag s2;
	_ =	strace s9  }
0x27: {  	s1 =	sld [smem:$0x3FAC]  }
0x28: {  	s2 =	sld [smem:$0x3FAD]  }
0x29: {  	s4 =	sld [smem:$0x3FAF]  }
0x2a: {  	p0 =	seq.s32 s5, $0x0;
	s5 =	sld [smem:$0x3FB0]  }
0x2b: {  	s6 =	sld [smem:$0x3FB1]  }
0x2c: {  	s7 =	sld [smem:$0x3FB2]  }
0x2d: {  	s3 =	simm.s32 $0x108;
	s8 =	sld [smem:$0x3FB3]  }
0x2e: {  	s3 =	simm.s32 @!p0 $0x1082;
	s9 =	sld [smem:$0x3FB4]  }
0x2f: {  	lr =	sadd.s32 s0, s3;
	s0 =	sld [smem:$0x3FAB]  }
0x30: {  	s3 =	sld [smem:$0x3FAE]  }
0x31: {  	[smem:$0x3FB7] =	sst s10  }
0x32: {  	s10 =	sld [smem:$0x3FB5];
	_ =	sdelay $0x3  }
0x33: {  	p0 =	seq.s32 s10, $0x1;
	s10 =	sld [smem:$0x3FB7];
	_ =	sdelay $0x3  }
0x34: {  	[smem:$0x3FB7] =	sst s10  }
0x35: {  	s10 =	sld [smem:$0x3FB6];
	_ =	sdelay $0x3  }
0x36: {  	p1 =	seq.s32 s10, $0x1;
	s10 =	sld [smem:$0x3FB7];
	_ =	sdelay $0x3  }
0x37: {  	[smem:$0x3FB7] =	sst s10  }
0x38: {  	s10 =	sld [smem:$0x3FB8]  }
0x39: {  	_ = 	snop;
	(pc) =	sbr.ind lr, $3  }
0x3a: {  	_ = 	snop  }
0x3b: {  	_ = 	snop  }
0x3c: {  	p2 =	seq.s32 s10, $0x1;
	s10 =	sld [smem:$0x3FB7]  }
0x3d: {  	_ =	shalt  }
0x3e: {  	_ =	shalt  }
0x3f: {  	_ =	shalt  }
0x40: {  	_ =	shalt  }
0x41: {  	_ =	shalt  }
0x42: {  	_ =	shalt  }
0x43: {  	_ =	shalt  }
0x44: {  	_ =	shalt  }
0x45: {  	_ =	shalt  }
0x46: {  	_ =	shalt  }
0x47: {  	_ =	shalt  }
0x48: {  	_ =	shalt  }
0x49: {  	_ =	shalt  }
0x4a: {  	_ =	shalt  }
0x4b: {  	_ =	shalt  }
0x4c: {  	_ =	shalt  }
0x4d: {  	_ =	shalt  }
0x4e: {  	_ =	shalt  }
0x4f: {  	_ =	shalt  }
0x50: {  	_ =	shalt  }
0x51: {  	_ =	shalt  }
0x52: {  	_ =	shalt  }
0x53: {  	_ =	shalt  }
0x54: {  	_ =	shalt  }
0x55: {  	_ =	shalt  }
0x56: {  	_ =	shalt  }
0x57: {  	_ =	shalt  }
0x58: {  	_ =	shalt  }
0x59: {  	_ =	shalt  }
0x5a: {  	_ =	shalt  }
0x5b: {  	_ =	shalt  }
0x5c: {  	_ =	shalt  }
0x5d: {  	_ =	shalt  }
0x5e: {  	_ =	shalt  }
0x5f: {  	_ =	shalt  }
0x60: {  	_ =	shalt  }
0x61: {  	_ =	shalt  }
0x62: {  	_ =	shalt  }
0x63: {  	_ =	shalt  }
0x64: {  	_ =	shalt  }
0x65: {  	_ =	shalt  }
0x66: {  	_ =	shalt  }
0x67: {  	_ =	shalt  }
0x68: {  	_ =	shalt  }
0x69: {  	_ =	shalt  }
0x6a: {  	_ =	shalt  }
0x6b: {  	_ =	shalt  }
0x6c: {  	_ =	shalt  }
0x6d: {  	_ =	shalt  }
0x6e: {  	_ =	shalt  }
0x6f: {  	_ =	shalt  }
0x70: {  	_ =	shalt  }
0x71: {  	_ =	shalt  }
0x72: {  	_ =	shalt  }
0x73: {  	_ =	shalt  }
0x74: {  	_ =	shalt  }
0x75: {  	_ =	shalt  }
0x76: {  	_ =	shalt  }
0x77: {  	_ =	shalt  }
0x78: {  	_ =	shalt  }
0x79: {  	_ =	shalt  }
0x7a: {  	_ =	shalt  }
0x7b: {  	_ =	shalt  }
0x7c: {  	_ =	shalt  }
0x7d: {  	_ =	shalt  }
0x7e: {  	_ =	shalt  }
0x7f: {  	_ =	shalt  }
0x80: {  	_ =	shalt  }
0x81: {  	_ =	shalt  }
0x82: {  	_ =	shalt  }
0x83: {  	_ =	shalt  }
0x84: {  	_ =	shalt  }
0x85: {  	_ =	shalt  }
0x86: {  	_ =	shalt  }
0x87: {  	_ =	shalt  }
.Lfunc_end0:
.L_simem_size_0:
called_computation_lowered:
.L_overlay_start_0:
0x88: {  	s2 =	sld [smem:$0x3FD9]  }
0x89: {  	s3 =	sld [smem:$0x3FFE];
	_ =	sdelay $0x1  }
0x8a: {  	s1 =	srdreg.scid  }
0x8b: {  	s0 =	sand.u32 $0x1, s1  }
0x8c: {  	s17 =	sshll.u32 s0, $0xA;
	s2 =	sadd.s32 s3, s2  }
0x8d: {  	s2 =	sadd.s32 s2, s17  }
0x8e: {  	[smem:$0x3FC3] =	sst s2  }
0x8f: {  	_ = 	snop  }
0x90: {  	s2 =	sld [smem:$0x3FC6];
	(tm) =	ssettm $0x1  }
0x91: {  	s18 =	sld [smem:$0x3FFB];
	_ =	sdelay $0x3  }
0x92: {  	_ =	strace s18  }
0x93: {  	s3 =	sld [smem:$0x3FFC];
	_ =	sdelay $0x3  }
0x94: {  	_ =	strace s3  }
0x95: {  	s3 =	sld [smem:$0x3FFD];
	_ =	sdelay $0x3  }
0x96: {  	_ =	strace s3  }
0x97: {  	_ =	strace $0x8FFFFFFF  }
0x98: {  	s19 =	sld [smem:$0x3FDB];
	_ =	sdelay $0x1  }
0x99: {  	s4 =	simm.s32 $_scs_section_size  }
0x9a: {  	s5 =	simm.s32 $_size__tile_overlayer_lowered;
	s6 =	simm.s32 $_tile_overlayer_lowered  }
0x9b: {  	s22 =	simm.s32 $0x1BFF;
	s21 =	sshll.u32 s6, $0x1;
	s3 =	sadd.s32 s4, s19  }
0x9c: {  	s7 =	simm.s32 $0x0;
	s20 =	sshll.u32 s5, $0x1;
	s5 =	sadd.s32 s21, s3  }
0x9d: {  	[timem:s7], [sflag:s22] =	dma.local [hbm:s5], s20  }
0x9e: {  	_ =	swait.ge [sflag:s22], s20  }
0x9f: {  	s4 =	ssub.s32 $0x0, s20;
	[sflag:s22] =	ssyncset.done $0x0  }
0xa0: {  	[sflag:s22] =	ssyncadd.s32 s4;
	_ =	sdelay $0x1  }
0xa1: {  	s23 =	simm.s32 $0x1B8B  }
0xa2: {  	_ =	swait.ge [sflag:s23], $0x1  }
0xa3: {  	[sflag:s23] =	ssyncset.done $0x0  }
0xa4: {  	s25 =	simm.s32 $0x1B8E;
	s24 =	sld [smem:$0x3FFE];
	[sflag:s23] =	ssyncadd.s32 $0xFFFFFFFF  }
0xa5: {  	s26 =	simm.s32 $execute0_lowered;
	[smem:$0x3FD2] =	sst s25  }
0xa6: {  	s5 =	sshll.u32 s26, $0x1;
	_ =	strace $0x80000046;
	[dreg:$0x1] =	wrdreg $0xFFFFFFFF  }
0xa7: {  	s28 =	simm.s32 $_size_execute0_lowered;
	s3 =	sadd.s32 s3, s5;
	[dreg:$0x0] =	wrdreg $0x0  }
0xa8: {  	s5 =	sshll.u32 s28, $0x1;
	[dreg:$0x2] =	wrdreg s3  }
0xa9: {  	[dreg:$0x3] =	wrdreg s5  }
0xaa: {  	[dreg:$0x4] =	wrdreg $0xC0  }
0xab: {  	_ =	task [dreg:s7], $0x5FFFF  }
0xac: {  	[dreg:$0x1] =	wrdreg $0xFFFFFFFF  }
0xad: {  	[dreg:$0x0] =	wrdreg $0x60  }
0xae: {  	[dreg:$0x2] =	wrdreg s24  }
0xaf: {  	[dreg:$0x3] =	wrdreg s2  }
0xb0: {  	[dreg:$0x4] =	wrdreg $0x9  }
0xb1: {  	_ =	task.clear_ibuf [dreg:s7], $0x5FFFF;
	_ =	strace $0x90000046  }
0xb2: {  	s29 =	simm.s32 $0x9;
	_ =	strace $0x80000048  }
0xb3: {  	_ =	swait.ge [sflag:s29], $0x1  }
0xb4: {  	[sflag:s29] =	ssyncadd.s32 $0xFFFFFFFF  }
0xb5: {  	_ =	strace $0x90000048  }
0xb6: {  	_ =	sfence  }
0xb7: {  	s30 =	sld [smem:$0x0];
	_ =	sdelay $0x2  }
0xb8: {  	s31 =	sshll.u32 s1, $0xD;
	s1 =	sshrl.u32 s1, $0x2  }
0xb9: {  	s3 =	sand.u32 $0x4000, s31;
	s1 =	sadd.s32 s1, s30  }
0xba: {  	s0 =	sor.u32 s3, s0;
	s1 =	sshll.u32 s1, $0x11  }
0xbb: {  	s0 =	sor.u32 s1, s0  }
0xbc: {  	s0 =	sadd.s32 $0x8F2B, s0  }
0xbd: {  	[sflag:s0] =	ssyncadd.remote.s32 $0x1  }
0xbe: {  	_ =	sfence.sel $0xFFFF  }
0xbf: {  	[dreg:$0x0] =	wrdreg $0xFFFFFFFF;
	(pc) =	sbr.abs _section_cstart, $3  }
0xc0: {  	[dreg:$0x1] =	wrdreg $0xFFFFFFFF  }
0xc1: {  	_ =	task.clear_ibuf [dreg:s7], $0x2FFFF;
	_ =	strace $0x9FFFFFFF  }
0xc2: {  	(tm) =	ssettm $0x7FFFFFFF  }
0xc3: {  	_ =	shalt  }
tec
execute0_lowered:
.L_overlay_start_1:
0x0: {  	(tag) =	ssettag $0x1  }
0x1: {  	s5 =	rddreg [dreg:$0x0]  }
0x2: {  	s2 =	rddreg [dreg:$0x1]  }
0x3: {  	s0 =	srdreg.scid;
	s1 =	rddreg [dreg:$0x2];
	s3 =	simm.s32 $0x0  }
0x4: {  	s11 =	simm.s32 $0x18000;
	s12 =	simm.s32 $0x2;
	s6 =	sand.u32 $0x1, s0  }
0x5: {  	s13 =	simm.s32 $0xC000;
	s0 =	stileid.u32;
	s4 =	smul.u32 $0x3000, s6  }
0x6: {  	s14 =	simm.s32 $0x1;
	s15 =	simm.s32 $0x18300;
	s7 =	smul.u32 $0x300, s0  }
0x7: {  	s16 =	simm.s32 $0x0;
	[smem:$0x7FF] =	sst s3;
	s6 =	ssub.s32 $0x2, s6  }
.Ltmp0:
0x8: {  	s10 =	sshrl.u32 s6, $0x1;
	s8 =	sadd.s32 s7, s4;
	(pc) =	sbr.rel .LBB2_1-.Ltmp0, $4  }
0x9: {  	_ =	strace $0x80000047;
	s10 =	ssub.s32 s6, s10;
	s7 =	smul.u32 $0x60, s8  }
0xa: {  	s4 =	sadd.s32 $0x240E00, s5;
	s9 =	sshll.u32 s8, $0x1;
	s10 =	smax.u32 s10, $0x1  }
0xb: {  	s9 =	sadd.s32 s9, s5;
	s5 =	sadd.s32 s4, s7;
	s7 =	sor.u32 $0x80, s8  }
0xc: {  	s8 =	sor.u32 $0xC0, s8;
	s9 =	sadd.s32 $0xE00, s9;
	s6 =	sadd.s32 $0x1800, s5  }
.LBB2_12:
0xd: {  	s16 =	sadd.s32 $0x1, s16  }
0xe: {  	p0 =	sne.s32 s16, s10  }
.Ltmp1:
0xf: {  	_ = 	snop;
	(pc) =	sbr.rel @!p0 .LBB2_13-.Ltmp1, $4  }
0x10: {  	[hbm4b:s9+s3] =	stream.linear.scatter [tilespmem:s15], [sflag:$0x2], $0x3000, $0x38;
	[tilespmem:$0x1B300] =	vst v63  }
0x11: {  	_ =	swait.ge [sflag:s12], $0x3000  }
0x12: {  	[sflag:s12] =	ssyncset.done $0x0  }
0x13: {  	[sflag:s12] =	ssyncadd.s32 $0xFFFFD000  }
.LBB2_1:
0x14: {  	[tilespmem:s11], [sflag:$0x2] =	stream.linear.gather [hbm4b:s2+s3], $0x300, $0x38;
	[tilespmem:$0x1B300] =	vst v63  }
0x15: {  	_ =	swait.ge [sflag:s12], $0x300  }
0x16: {  	[sflag:s12] =	ssyncset.done $0x0  }
0x17: {  	[sflag:s12] =	ssyncadd.s32 $0xFFFFFD00  }
0x18: {  	[tilespmem:s3], [sflag:$0x1] =	stream.linear.gather [hbm4b:s5+s3], $0xC000, $0x38;
	[tilespmem:$0x1B300] =	vst v63  }
0x19: {  	s17 =	simm.s32 $0x18310;
	s18 =	simm.s32 $0x18710;
	s19 =	simm.s32 $0x0  }
0x1a: {  	[tilespmem:s13], [sflag:$0x1] =	stream.linear.gather [hbm4b:s6+s3], $0xC000, $0x38;
	[tilespmem:$0x1B300] =	vst v63  }
.LBB2_2:
0x1b: {  	_ =	swait.ge [sflag:s14], $0xC000  }
0x1c: {  	[sflag:s14] =	ssyncset.done $0x0  }
0x1d: {  	[sflag:s14] =	ssyncadd.s32 $0xFFFF4000  }
0x1e: {  	v0 =	vld [tilespmem:$0x18000]  }
0x1f: {  	v1 =	vld [tilespmem:$0x18010]  }
0x20: {  	v2 =	vld [tilespmem:$0x18020]  }
0x21: {  	v3 =	vld [tilespmem:$0x18030]  }
0x22: {  	v4 =	vld [tilespmem:$0x18040]  }
0x23: {  	v5 =	vld [tilespmem:$0x18050]  }
0x24: {  	v6 =	vld [tilespmem:$0x18060]  }
0x25: {  	v7 =	vld [tilespmem:$0x18070]  }
0x26: {  	v8 =	vld [tilespmem:$0x18080]  }
0x27: {  	v9 =	vld [tilespmem:$0x18090]  }
0x28: {  	v10 =	vld [tilespmem:$0x180A0]  }
0x29: {  	v11 =	vld [tilespmem:$0x180B0]  }
0x2a: {  	v12 =	vld [tilespmem:$0x180C0]  }
0x2b: {  	v13 =	vld [tilespmem:$0x180D0]  }
0x2c: {  	v16 =	vld [tilespmem:$0x180E0]  }
0x2d: {  	v19 =	vld [tilespmem:$0x180F0]  }
0x2e: {  	v21 =	vld [tilespmem:$0x18100]  }
0x2f: {  	v22 =	vld [tilespmem:$0x18110]  }
0x30: {  	v23 =	vld [tilespmem:$0x18120]  }
0x31: {  	v20 =	vld [tilespmem:$0x18130]  }
0x32: {  	v17 =	vld [tilespmem:$0x18140]  }
0x33: {  	v18 =	vld [tilespmem:$0x18150]  }
0x34: {  	v14 =	vld [tilespmem:$0x18160]  }
0x35: {  	s21 =	simm.s32 $0x300;
	v15 =	vld [tilespmem:$0x18170]  }
0x36: {  	v24 =	vld [tilespmem:s21+$0x100]  }
0x37: {  	v25 =	vld [tilespmem:s21+$0x110]  }
0x38: {  	v26 =	vld [tilespmem:s21+$0x120]  }
0x39: {  	v27 =	vld [tilespmem:s21+$0x130]  }
0x3a: {  	v28 =	vld [tilespmem:s21+$0x0]  }
0x3b: {  	v29 =	vld [tilespmem:s21+$0x10]  }
0x3c: {  	v30 =	vld [tilespmem:s21+$0x20]  }
0x3d: {  	v31 =	vld [tilespmem:s21+$0x30]  }
0x3e: {  	v32 =	vld [tilespmem:s21+$0x40]  }
0x3f: {  	v33 =	vld [tilespmem:s21+$0x50]  }
0x40: {  	v34 =	vld [tilespmem:s21+$0x60]  }
0x41: {  	v35 =	vld [tilespmem:s21+$0x70]  }
0x42: {  	v36 =	vld [tilespmem:s21+$0x80]  }
0x43: {  	v37 =	vld [tilespmem:s21+$0x90]  }
0x44: {  	v38 =	vld [tilespmem:s21+$0xA0]  }
0x45: {  	v39 =	vld [tilespmem:s21+$0xB0]  }
0x46: {  	v40 =	vld [tilespmem:s21+$0xC0]  }
0x47: {  	v41 =	vld [tilespmem:s21+$0xD0]  }
0x48: {  	v42 =	vld [tilespmem:s21+$0xE0]  }
0x49: {  	v43 =	vld [tilespmem:s21+$0xF0];
	v28 =	vmul.f32 v28, v0;
	v29 =	vmul.f32 v29, v1  }
0x4a: {  	v44 =	vld [tilespmem:s21+$0x140];
	v30 =	vmul.f32 v30, v2;
	v36 =	vmul.f32 v36, v8  }
0x4b: {  	v45 =	vld [tilespmem:s21+$0x150];
	v31 =	vmul.f32 v31, v3;
	v37 =	vmul.f32 v37, v9  }
0x4c: {  	v46 =	vld [tilespmem:s21+$0x160];
	v32 =	vmul.f32 v32, v4;
	v38 =	vmul.f32 v38, v10  }
0x4d: {  	v47 =	vld [tilespmem:s21+$0x170];
	v33 =	vmul.f32 v33, v5;
	v39 =	vmul.f32 v39, v11  }
0x4e: {  	v48 =	vld [tilespmem:s21+$0xFFFFFD10];
	v34 =	vmul.f32 v34, v6;
	v40 =	vmul.f32 v40, v12  }
0x4f: {  	v55 =	vld [tilespmem:s21+$0xFFFFFD20];
	v35 =	vmul.f32 v35, v7;
	v41 =	vmul.f32 v41, v13  }
0x50: {  	v56 =	vld [tilespmem:s21+$0xFFFFFD30];
	v42 =	vmul.f32 v42, v16;
	v43 =	vmul.f32 v43, v19  }
0x51: {  	v57 =	vld [tilespmem:s21+$0xFFFFFD40];
	v24 =	vmul.f32 v24, v21;
	v25 =	vmul.f32 v25, v22  }
0x52: {  	v58 =	vld [tilespmem:s21+$0xFFFFFD50];
	v26 =	vmul.f32 v26, v23;
	v27 =	vmul.f32 v27, v20  }
0x53: {  	v59 =	vld [tilespmem:s21+$0xFFFFFD60];
	v62 =	vmul.f32 v45, v18;
	v28 =	vadd.f32 v36, v28;
	v29 =	vadd.f32 v37, v29  }
0x54: {  	v60 =	vld [tilespmem:s21+$0xFFFFFD70];
	v63 =	vmul.f32 v46, v14;
	v30 =	vadd.f32 v38, v30;
	v31 =	vadd.f32 v39, v31  }
0x55: {  	v61 =	vld [tilespmem:s21+$0xFFFFFD80];
	v50 =	vmul.f32 v48, v1;
	v32 =	vadd.f32 v40, v32;
	v33 =	vadd.f32 v41, v33  }
0x56: {  	v49 =	vld [tilespmem:s21+$0xFFFFFDB0];
	v34 =	vadd.f32 v42, v34;
	v35 =	vadd.f32 v43, v35;
	v36 =	vmul.f32 v55, v2  }
0x57: {  	v52 =	vld [tilespmem:s21+$0xFFFFFDC0];
	v24 =	vadd.f32 v24, v28;
	v25 =	vadd.f32 v25, v29;
	v29 =	vmul.f32 v44, v17  }
0x58: {  	v54 =	vld [tilespmem:s21+$0xFFFFFDF0];
	v26 =	vadd.f32 v26, v30;
	v27 =	vadd.f32 v27, v31;
	v31 =	vmul.f32 v47, v15  }
0x59: {  	v37 =	vmul.f32 v56, v3;
	v28 =	vld [tilespmem:s21+$0xFFFFFD90];
	v51 =	vadd.f32 v62, v33;
	v34 =	vadd.f32 v63, v34  }
0x5a: {  	v38 =	vmul.f32 v57, v4;
	v30 =	vld [tilespmem:s21+$0xFFFFFDA0];
	v29 =	vadd.f32 v29, v32;
	v31 =	vadd.f32 v31, v35  }
0x5b: {  	v55 =	vmul.f32 v58, v5;
	v57 =	vld [tilespmem:s21+$0xFFFFFD00];
	v24 =	vadd.f32 v25, v24;
	v25 =	vadd.f32 v27, v26  }
0x5c: {  	v53 =	vld [tilespmem:s21+$0xFFFFFDD0];
	v56 =	vmul.f32 v59, v6;
	v26 =	vadd.f32 v51, v29;
	v29 =	vadd.f32 v31, v34  }
0x5d: {  	v41 =	vmul.f32 v60, v7;
	v42 =	vmul.f32 v61, v8;
	v59 =	vld [tilespmem:s21+$0xFFFFFE10]  }
0x5e: {  	v27 =	vld [tilespmem:s21+$0xFFFFFDE0];
	v24 =	vadd.f32 v25, v24;
	v25 =	vadd.f32 v29, v26;
	v26 =	vmul.f32 v28, v9  }
0x5f: {  	v58 =	vld [tilespmem:s21+$0xFFFFFE00];
	v62 =	vmul.f32 v54, v19;
	v28 =	vmul.f32 v30, v10  }
0x60: {  	v61 =	vld [tilespmem:s21+$0xFFFFFE20];
	v63 =	vmul.f32 v57, v0;
	v60 =	vadd.f32 v25, v24;
	v24 =	vadd.f32 v26, v50  }
0x61: {  	v31 =	vld [tilespmem:s21+$0xFFFFFE30];
	v26 =	vmul.f32 v49, v11;
	v25 =	vadd.f32 v28, v36;
	v28 =	vmul.f32 v52, v12  }
0x62: {  	v32 =	vld [tilespmem:s21+$0xFFFFFE40];
	v39 =	vmul.f32 v59, v22;
	v29 =	vmul.f32 v53, v13  }
0x63: {  	v33 =	vld [tilespmem:s21+$0xFFFFFE50];
	v30 =	vmul.f32 v27, v16;
	v26 =	vadd.f32 v26, v37;
	v27 =	vadd.f32 v28, v38  }
0x64: {  	s20 =	sshll.u32 s19, $0x7;
	v34 =	vld [tilespmem:s21+$0xFFFFFE60];
	v36 =	vmul.f32 v58, v21;
	v28 =	vadd.f32 v29, v55;
	v38 =	vadd.f32 v42, v63  }
0x65: {  	s22 =	simm.s32 $0x0;
	s23 =	simm.s32 $0x900;
	v35 =	vld [tilespmem:s21+$0xFFFFFE70];
	s21 =	smov.u32 s17;
	v29 =	vadd.f32 v30, v56;
	v30 =	vadd.f32 v62, v41;
	[tilespmem:s17+$0x0] =	vst v60;
	v37 =	vmul.f32 v61, v23  }
.LBB2_3:
0x66: {  	v40 =	vld [tilespmem:s23+$0x100];
	v36 =	vadd.f32 v36, v38;
	v24 =	vadd.f32 v39, v24;
	v31 =	vmul.f32 v31, v20  }
0x67: {  	v38 =	vld [tilespmem:s23+$0x110];
	v25 =	vadd.f32 v37, v25;
	v32 =	vmul.f32 v32, v17  }
0x68: {  	v37 =	vld [tilespmem:s23+$0x120];
	v26 =	vadd.f32 v31, v26;
	v31 =	vmul.f32 v33, v18;
	v24 =	vadd.f32 v24, v36  }
0x69: {  	v33 =	vld [tilespmem:s23+$0x130];
	v27 =	vadd.f32 v32, v27;
	v32 =	vmul.f32 v34, v14  }
0x6a: {  	v34 =	vld [tilespmem:s23+$0x0];
	v28 =	vadd.f32 v31, v28;
	v31 =	vmul.f32 v35, v15;
	v25 =	vadd.f32 v26, v25  }
0x6b: {  	v26 =	vld [tilespmem:s23+$0x10];
	v29 =	vadd.f32 v32, v29  }
0x6c: {  	v32 =	vld [tilespmem:s23+$0x20];
	v30 =	vadd.f32 v31, v30;
	v27 =	vadd.f32 v28, v27  }
0x6d: {  	v24 =	vadd.f32 v25, v24;
	v28 =	vld [tilespmem:s23+$0x30]  }
0x6e: {  	v25 =	vld [tilespmem:s23+$0x40];
	v29 =	vadd.f32 v30, v29  }
0x6f: {  	v30 =	vld [tilespmem:s23+$0x50]  }
0x70: {  	v31 =	vld [tilespmem:s23+$0x60];
	v27 =	vadd.f32 v29, v27  }
0x71: {  	v29 =	vld [tilespmem:s23+$0x70]  }
0x72: {  	v35 =	vld [tilespmem:s23+$0x80];
	v24 =	vadd.f32 v27, v24  }
0x73: {  	v27 =	vld [tilespmem:s23+$0x90]  }
0x74: {  	v39 =	vmul.f32 v40, v21;
	v38 =	vmul.f32 v38, v22;
	v36 =	vld [tilespmem:s23+$0xA0];
	[tilespmem:s21+$0xFFFFFFF0] =	vst v24  }
0x75: {  	v37 =	vmul.f32 v37, v23;
	v33 =	vmul.f32 v33, v20;
	v24 =	vld [tilespmem:s23+$0xB0]  }
0x76: {  	v34 =	vmul.f32 v34, v0;
	v26 =	vmul.f32 v26, v1;
	v40 =	vld [tilespmem:s23+$0xC0]  }
0x77: {  	v32 =	vmul.f32 v32, v2;
	v28 =	vmul.f32 v28, v3;
	v41 =	vld [tilespmem:s23+$0xD0]  }
0x78: {  	v25 =	vmul.f32 v25, v4;
	v30 =	vmul.f32 v30, v5;
	v42 =	vld [tilespmem:s23+$0xE0]  }
0x79: {  	v31 =	vmul.f32 v31, v6;
	v29 =	vmul.f32 v29, v7;
	v43 =	vld [tilespmem:s23+$0xF0]  }
0x7a: {  	v35 =	vmul.f32 v35, v8;
	v27 =	vmul.f32 v27, v9;
	v44 =	vld [tilespmem:s23+$0x140]  }
0x7b: {  	s22 =	sadd.s32 $0x2, s22;
	v36 =	vmul.f32 v36, v10;
	v24 =	vmul.f32 v24, v11;
	v45 =	vld [tilespmem:s23+$0x150]  }
0x7c: {  	p0 =	slt.u32 s22, $0x3E;
	v40 =	vmul.f32 v40, v12;
	v41 =	vmul.f32 v41, v13;
	v46 =	vld [tilespmem:s23+$0x160]  }
0x7d: {  	v34 =	vadd.f32 v35, v34;
	v26 =	vadd.f32 v27, v26;
	v27 =	vmul.f32 v42, v16;
	v35 =	vld [tilespmem:s23+$0x170]  }
0x7e: {  	v32 =	vadd.f32 v36, v32;
	v24 =	vadd.f32 v24, v28;
	v42 =	vld [tilespmem:s23+$0xFFFFFD10];
	v28 =	vmul.f32 v43, v19  }
0x7f: {  	v25 =	vadd.f32 v40, v25;
	v30 =	vadd.f32 v41, v30;
	v36 =	vld [tilespmem:s23+$0xFFFFFD20];
	v40 =	vmul.f32 v44, v17  }
0x80: {  	v27 =	vadd.f32 v27, v31;
	v41 =	vld [tilespmem:s23+$0xFFFFFD30];
	v28 =	vadd.f32 v28, v29;
	v29 =	vmul.f32 v45, v18  }
0x81: {  	v34 =	vadd.f32 v39, v34;
	v26 =	vadd.f32 v38, v26;
	v31 =	vld [tilespmem:s23+$0xFFFFFD40];
	v38 =	vmul.f32 v46, v14  }
0x82: {  	v32 =	vadd.f32 v37, v32;
	v24 =	vadd.f32 v33, v24;
	v39 =	vld [tilespmem:s23+$0xFFFFFD50];
	v33 =	vmul.f32 v35, v15  }
0x83: {  	v25 =	vadd.f32 v40, v25;
	v29 =	vadd.f32 v29, v30;
	v35 =	vmul.f32 v42, v1;
	v37 =	vld [tilespmem:s23+$0xFFFFFD60]  }
0x84: {  	v27 =	vadd.f32 v38, v27;
	v30 =	vmul.f32 v36, v2;
	v36 =	vld [tilespmem:s23+$0xFFFFFD70];
	v28 =	vadd.f32 v33, v28  }
0x85: {  	v26 =	vadd.f32 v26, v34;
	v24 =	vadd.f32 v24, v32;
	v33 =	vmul.f32 v41, v3;
	v38 =	vld [tilespmem:s23+$0xFFFFFD80]  }
0x86: {  	v25 =	vadd.f32 v29, v25;
	v31 =	vmul.f32 v31, v4;
	v32 =	vld [tilespmem:s23+$0xFFFFFD90];
	v27 =	vadd.f32 v28, v27  }
0x87: {  	v28 =	vmul.f32 v39, v5;
	v29 =	vld [tilespmem:s23+$0xFFFFFDA0]  }
0x88: {  	v24 =	vadd.f32 v24, v26;
	v34 =	vmul.f32 v37, v6;
	v37 =	vld [tilespmem:s23+$0xFFFFFDB0];
	v25 =	vadd.f32 v27, v25  }
0x89: {  	v36 =	vmul.f32 v36, v7;
	v26 =	vld [tilespmem:s23+$0xFFFFFDC0]  }
0x8a: {  	v38 =	vmul.f32 v38, v8;
	v27 =	vld [tilespmem:s23+$0xFFFFFDD0];
	v24 =	vadd.f32 v25, v24  }
0x8b: {  	s21 =	sadd.s32 $0x20, s21;
	v25 =	vmul.f32 v32, v9;
	v32 =	vld [tilespmem:s23+$0xFFFFFDE0]  }
0x8c: {  	v29 =	vmul.f32 v29, v10;
	v39 =	vld [tilespmem:s23+$0xFFFFFDF0];
	[tilespmem:s21+$0x0] =	vst v24  }
0x8d: {  	v40 =	vld [tilespmem:s23+$0xFFFFFD00];
	v24 =	vadd.f32 v25, v35;
	v35 =	vmul.f32 v37, v11  }
0x8e: {  	v25 =	vadd.f32 v29, v30;
	v29 =	vmul.f32 v26, v12;
	v37 =	vld [tilespmem:s23+$0xFFFFFE00]  }
0x8f: {  	v26 =	vadd.f32 v35, v33;
	v30 =	vmul.f32 v27, v13;
	v35 =	vld [tilespmem:s23+$0xFFFFFE10]  }
0x90: {  	v27 =	vadd.f32 v29, v31;
	v29 =	vmul.f32 v32, v16;
	v41 =	vld [tilespmem:s23+$0xFFFFFE20]  }
.Ltmp2:
0x91: {  	v28 =	vadd.f32 v30, v28;
	v30 =	vmul.f32 v39, v19;
	v31 =	vld [tilespmem:s23+$0xFFFFFE30];
	(pc) =	sbr.rel @p0 .LBB2_3-.Ltmp2, $4  }
0x92: {  	v39 =	vmul.f32 v40, v0;
	v29 =	vadd.f32 v29, v34;
	v32 =	vld [tilespmem:s23+$0xFFFFFE40]  }
0x93: {  	v30 =	vadd.f32 v30, v36;
	v36 =	vmul.f32 v37, v21;
	v33 =	vld [tilespmem:s23+$0xFFFFFE50]  }
0x94: {  	v38 =	vadd.f32 v38, v39;
	v39 =	vmul.f32 v35, v22;
	v34 =	vld [tilespmem:s23+$0xFFFFFE60]  }
0x95: {  	v37 =	vmul.f32 v41, v23;
	v35 =	vld [tilespmem:s23+$0xFFFFFE70];
	s23 =	sadd.s32 $0x600, s23  }
0x96: {  	_ =	sdelay $0x1  }
0x97: {  	v0 =	vadd.f32 v36, v38;
	v1 =	vadd.f32 v39, v24;
	v2 =	vmul.f32 v31, v20  }
0x98: {  	v3 =	vadd.f32 v37, v25;
	v4 =	vmul.f32 v32, v17;
	v5 =	vmul.f32 v33, v18  }
0x99: {  	v2 =	vadd.f32 v2, v26;
	v6 =	vmul.f32 v34, v14;
	v7 =	vmul.f32 v35, v15  }
0x9a: {  	v4 =	vadd.f32 v4, v27;
	v5 =	vadd.f32 v5, v28  }
0x9b: {  	v6 =	vadd.f32 v6, v29;
	v7 =	vadd.f32 v7, v30  }
0x9c: {  	v0 =	vadd.f32 v1, v0;
	v1 =	vadd.f32 v2, v3  }
0x9d: {  	v2 =	vadd.f32 v5, v4;
	v3 =	vadd.f32 v7, v6;
	_ =	sdelay $0x1  }
0x9e: {  	v0 =	vadd.f32 v1, v0;
	v1 =	vadd.f32 v3, v2;
	_ =	sdelay $0x1  }
0x9f: {  	v0 =	vadd.f32 v1, v0;
	_ =	sdelay $0x1  }
0xa0: {  	[tilespmem:s21+$0xFFFFFFF0] =	vst v0  }
0xa1: {  	v0 =	vld [tilespmem:$0x18180]  }
0xa2: {  	v1 =	vld [tilespmem:$0x18190]  }
0xa3: {  	v2 =	vld [tilespmem:$0x181A0]  }
0xa4: {  	v3 =	vld [tilespmem:$0x181B0]  }
0xa5: {  	v4 =	vld [tilespmem:$0x181C0]  }
0xa6: {  	v5 =	vld [tilespmem:$0x181D0]  }
0xa7: {  	v6 =	vld [tilespmem:$0x181E0]  }
0xa8: {  	v7 =	vld [tilespmem:$0x181F0]  }
0xa9: {  	v8 =	vld [tilespmem:$0x18200]  }
0xaa: {  	v9 =	vld [tilespmem:$0x18210]  }
0xab: {  	v10 =	vld [tilespmem:$0x18220]  }
0xac: {  	v11 =	vld [tilespmem:$0x18230]  }
0xad: {  	v12 =	vld [tilespmem:$0x18240]  }
0xae: {  	v13 =	vld [tilespmem:$0x18250]  }
0xaf: {  	v14 =	vld [tilespmem:$0x18260]  }
0xb0: {  	v15 =	vld [tilespmem:$0x18270]  }
0xb1: {  	v16 =	vld [tilespmem:$0x18280]  }
0xb2: {  	v18 =	vld [tilespmem:$0x18290]  }
0xb3: {  	v22 =	vld [tilespmem:$0x182A0]  }
0xb4: {  	v23 =	vld [tilespmem:$0x182B0]  }
0xb5: {  	v19 =	vld [tilespmem:$0x182C0]  }
0xb6: {  	v20 =	vld [tilespmem:$0x182D0]  }
0xb7: {  	v17 =	vld [tilespmem:$0x182E0]  }
0xb8: {  	s31 =	simm.s32 $0x480;
	v21 =	vld [tilespmem:$0x182F0]  }
0xb9: {  	v24 =	vld [tilespmem:s31+$0x100]  }
0xba: {  	v25 =	vld [tilespmem:s31+$0x110]  }
0xbb: {  	v26 =	vld [tilespmem:s31+$0x120]  }
0xbc: {  	v27 =	vld [tilespmem:s31+$0x130]  }
0xbd: {  	v28 =	vld [tilespmem:s31+$0x0]  }
0xbe: {  	v29 =	vld [tilespmem:s31+$0x10]  }
0xbf: {  	v30 =	vld [tilespmem:s31+$0x20]  }
0xc0: {  	v31 =	vld [tilespmem:s31+$0x30]  }
0xc1: {  	v58 =	vld [tilespmem:s31+$0x40]  }
0xc2: {  	v59 =	vld [tilespmem:s31+$0x50]  }
0xc3: {  	v60 =	vld [tilespmem:s31+$0x60]  }
0xc4: {  	v61 =	vld [tilespmem:s31+$0x70]  }
0xc5: {  	v62 =	vld [tilespmem:s31+$0x80]  }
0xc6: {  	v63 =	vld [tilespmem:s31+$0x90]  }
0xc7: {  	v48 =	vld [tilespmem:s31+$0xA0]  }
0xc8: {  	v49 =	vld [tilespmem:s31+$0xB0]  }
0xc9: {  	v40 =	vld [tilespmem:s31+$0xC0]  }
0xca: {  	v41 =	vld [tilespmem:s31+$0xD0]  }
0xcb: {  	v42 =	vld [tilespmem:s31+$0xE0]  }
0xcc: {  	v43 =	vld [tilespmem:s31+$0xF0];
	v28 =	vmul.f32 v28, v0;
	v29 =	vmul.f32 v29, v1  }
0xcd: {  	v44 =	vld [tilespmem:s31+$0x140];
	v30 =	vmul.f32 v30, v2;
	v36 =	vmul.f32 v62, v8  }
0xce: {  	v45 =	vld [tilespmem:s31+$0x150];
	v31 =	vmul.f32 v31, v3;
	v37 =	vmul.f32 v63, v9  }
0xcf: {  	v46 =	vld [tilespmem:s31+$0x160];
	v32 =	vmul.f32 v58, v4;
	v38 =	vmul.f32 v48, v10  }
0xd0: {  	v47 =	vld [tilespmem:s31+$0x170];
	v33 =	vmul.f32 v59, v5;
	v39 =	vmul.f32 v49, v11  }
0xd1: {  	v50 =	vld [tilespmem:s31+$0xFFFFFD10];
	v34 =	vmul.f32 v60, v6;
	v40 =	vmul.f32 v40, v12  }
0xd2: {  	v51 =	vld [tilespmem:s31+$0xFFFFFD20];
	v41 =	vmul.f32 v41, v13;
	v42 =	vmul.f32 v42, v14  }
0xd3: {  	v52 =	vld [tilespmem:s31+$0xFFFFFD30];
	v35 =	vmul.f32 v61, v7;
	v43 =	vmul.f32 v43, v15  }
0xd4: {  	v53 =	vld [tilespmem:s31+$0xFFFFFD40];
	v24 =	vmul.f32 v24, v16;
	v25 =	vmul.f32 v25, v18  }
0xd5: {  	v54 =	vld [tilespmem:s31+$0xFFFFFD50];
	v26 =	vmul.f32 v26, v22;
	v28 =	vadd.f32 v36, v28;
	v29 =	vadd.f32 v37, v29  }
0xd6: {  	v55 =	vld [tilespmem:s31+$0xFFFFFD60];
	v27 =	vmul.f32 v27, v23;
	v30 =	vadd.f32 v38, v30;
	v31 =	vadd.f32 v39, v31  }
0xd7: {  	v56 =	vld [tilespmem:s31+$0xFFFFFD70];
	v57 =	vmul.f32 v44, v19;
	v32 =	vadd.f32 v40, v32;
	v33 =	vadd.f32 v41, v33  }
0xd8: {  	v58 =	vmul.f32 v45, v20;
	v59 =	vld [tilespmem:s31+$0xFFFFFD90];
	v34 =	vadd.f32 v42, v34;
	v35 =	vadd.f32 v43, v35  }
0xd9: {  	v60 =	vld [tilespmem:s31+$0xFFFFFDA0];
	v24 =	vadd.f32 v24, v28;
	v25 =	vadd.f32 v25, v29;
	v29 =	vmul.f32 v46, v17  }
0xda: {  	v61 =	vld [tilespmem:s31+$0xFFFFFDB0];
	v26 =	vadd.f32 v26, v30;
	v27 =	vadd.f32 v27, v31;
	v30 =	vmul.f32 v47, v21  }
0xdb: {  	v48 =	vld [tilespmem:s31+$0xFFFFFDE0];
	v32 =	vadd.f32 v57, v32;
	v33 =	vadd.f32 v58, v33  }
0xdc: {  	v63 =	vmul.f32 v52, v3;
	v52 =	vld [tilespmem:s31+$0xFFFFFD00];
	v29 =	vadd.f32 v29, v34;
	v30 =	vadd.f32 v30, v35  }
0xdd: {  	v28 =	vld [tilespmem:s31+$0xFFFFFD80];
	v24 =	vadd.f32 v25, v24;
	v25 =	vadd.f32 v27, v26  }
0xde: {  	v31 =	vld [tilespmem:s17+$0x0];
	v32 =	vadd.f32 v33, v32;
	v29 =	vadd.f32 v30, v29  }
0xdf: {  	v62 =	vmul.f32 v51, v2;
	v49 =	vmul.f32 v53, v4;
	v26 =	vld [tilespmem:s31+$0xFFFFFDC0]  }
0xe0: {  	v51 =	vmul.f32 v55, v6;
	v30 =	vld [tilespmem:s31+$0xFFFFFDD0];
	v24 =	vadd.f32 v25, v24;
	v25 =	vadd.f32 v29, v32  }
0xe1: {  	v53 =	vmul.f32 v56, v7;
	v55 =	vld [tilespmem:s31+$0xFFFFFE00];
	v27 =	vmul.f32 v50, v1  }
0xe2: {  	v50 =	vmul.f32 v54, v5;
	v54 =	vmul.f32 v28, v8;
	v29 =	vld [tilespmem:s31+$0xFFFFFDF0];
	v24 =	vadd.f32 v25, v24  }
0xe3: {  	v56 =	vld [tilespmem:s31+$0xFFFFFE10];
	v28 =	vmul.f32 v60, v10;
	v60 =	vmul.f32 v48, v14  }
0xe4: {  	v58 =	vld [tilespmem:s31+$0xFFFFFE20];
	v25 =	vmul.f32 v59, v9;
	v24 =	vadd.f32 v24, v31;
	v31 =	vmul.f32 v61, v11  }
0xe5: {  	v57 =	vmul.f32 v26, v12;
	v26 =	vadd.f32 v28, v62;
	v59 =	vld [tilespmem:s31+$0xFFFFFE30];
	v28 =	vmul.f32 v30, v13  }
0xe6: {  	v30 =	vmul.f32 v52, v0;
	v45 =	vadd.f32 v25, v27;
	v27 =	vadd.f32 v31, v63;
	v31 =	vld [tilespmem:s31+$0xFFFFFE40]  }
0xe7: {  	v32 =	vld [tilespmem:s31+$0xFFFFFE50];
	v62 =	vmul.f32 v55, v16;
	v25 =	vadd.f32 v57, v49;
	v61 =	vmul.f32 v29, v15  }
0xe8: {  	v33 =	vld [tilespmem:s31+$0xFFFFFE60];
	v28 =	vadd.f32 v28, v50;
	v39 =	vadd.f32 v54, v30;
	v63 =	vmul.f32 v56, v18  }
0xe9: {  	v34 =	vld [tilespmem:s31+$0xFFFFFE70];
	v37 =	vmul.f32 v58, v22;
	v29 =	vadd.f32 v60, v51;
	v30 =	vadd.f32 v61, v53  }
0xea: {  	s22 =	simm.s32 $0x0;
	s23 =	simm.s32 $0xA80;
	s21 =	smov.u32 s17;
	[tilespmem:s17+$0x0] =	vst v24;
	v24 =	vld [tilespmem:s17+$0xFFFFFFF0];
	v35 =	vadd.f32 v62, v39;
	v38 =	vmul.f32 v59, v23;
	v36 =	vadd.f32 v63, v45  }
.LBB2_5:
0xeb: {  	v39 =	vld [tilespmem:s23+$0x100];
	v26 =	vadd.f32 v37, v26;
	v31 =	vmul.f32 v31, v19  }
0xec: {  	v37 =	vld [tilespmem:s23+$0x110];
	v27 =	vadd.f32 v38, v27;
	v32 =	vmul.f32 v32, v20;
	v35 =	vadd.f32 v36, v35  }
0xed: {  	v36 =	vld [tilespmem:s23+$0x120];
	v25 =	vadd.f32 v31, v25;
	v31 =	vmul.f32 v33, v17  }
0xee: {  	v33 =	vld [tilespmem:s23+$0x130];
	v28 =	vadd.f32 v32, v28;
	v32 =	vmul.f32 v34, v21;
	v26 =	vadd.f32 v27, v26  }
0xef: {  	v27 =	vld [tilespmem:s23+$0x0];
	v29 =	vadd.f32 v31, v29  }
0xf0: {  	v31 =	vld [tilespmem:s23+$0x10];
	v30 =	vadd.f32 v32, v30;
	v25 =	vadd.f32 v28, v25  }
0xf1: {  	v26 =	vadd.f32 v26, v35;
	v28 =	vld [tilespmem:s23+$0x20]  }
0xf2: {  	v32 =	vld [tilespmem:s23+$0x30];
	v29 =	vadd.f32 v30, v29  }
0xf3: {  	v30 =	vld [tilespmem:s23+$0x40]  }
0xf4: {  	v34 =	vld [tilespmem:s23+$0x50];
	v25 =	vadd.f32 v29, v25  }
0xf5: {  	v29 =	vld [tilespmem:s23+$0x60]  }
0xf6: {  	v35 =	vld [tilespmem:s23+$0x70];
	v25 =	vadd.f32 v25, v26  }
0xf7: {  	v26 =	vld [tilespmem:s23+$0x80]  }
0xf8: {  	v38 =	vld [tilespmem:s23+$0x90];
	v24 =	vadd.f32 v25, v24  }
0xf9: {  	v39 =	vmul.f32 v39, v16;
	v37 =	vmul.f32 v37, v18;
	v25 =	vld [tilespmem:s23+$0xA0]  }
0xfa: {  	v36 =	vmul.f32 v36, v22;
	v33 =	vmul.f32 v33, v23;
	v40 =	vld [tilespmem:s23+$0xB0];
	[tilespmem:s21+$0xFFFFFFF0] =	vst v24  }
0xfb: {  	v24 =	vmul.f32 v27, v0;
	v27 =	vmul.f32 v31, v1;
	v31 =	vld [tilespmem:s23+$0xC0]  }
0xfc: {  	v28 =	vmul.f32 v28, v2;
	v32 =	vmul.f32 v32, v3;
	v41 =	vld [tilespmem:s23+$0xD0]  }
0xfd: {  	v30 =	vmul.f32 v30, v4;
	v34 =	vmul.f32 v34, v5;
	v42 =	vld [tilespmem:s23+$0xE0]  }
0xfe: {  	v29 =	vmul.f32 v29, v6;
	v35 =	vmul.f32 v35, v7;
	v43 =	vld [tilespmem:s23+$0xF0]  }
0xff: {  	v26 =	vmul.f32 v26, v8;
	v38 =	vmul.f32 v38, v9;
	v44 =	vld [tilespmem:s23+$0x140]  }
0x100: {  	s22 =	sadd.s32 $0x2, s22;
	v25 =	vmul.f32 v25, v10;
	v40 =	vmul.f32 v40, v11;
	v45 =	vld [tilespmem:s23+$0x150]  }
0x101: {  	p0 =	slt.u32 s22, $0x3E;
	v31 =	vmul.f32 v31, v12;
	v41 =	vmul.f32 v41, v13;
	v46 =	vld [tilespmem:s23+$0x160]  }
0x102: {  	v24 =	vadd.f32 v26, v24;
	v26 =	vadd.f32 v38, v27;
	v27 =	vmul.f32 v42, v14;
	v38 =	vld [tilespmem:s23+$0x170]  }
0x103: {  	v25 =	vadd.f32 v25, v28;
	v28 =	vadd.f32 v40, v32;
	v42 =	vld [tilespmem:s23+$0xFFFFFD10];
	v32 =	vmul.f32 v43, v15  }
0x104: {  	v30 =	vadd.f32 v31, v30;
	v31 =	vadd.f32 v41, v34;
	v40 =	vld [tilespmem:s23+$0xFFFFFD20];
	v34 =	vmul.f32 v44, v19  }
0x105: {  	v27 =	vadd.f32 v27, v29;
	v41 =	vld [tilespmem:s23+$0xFFFFFD30];
	v29 =	vadd.f32 v32, v35;
	v32 =	vmul.f32 v45, v20  }
0x106: {  	v24 =	vadd.f32 v39, v24;
	v26 =	vadd.f32 v37, v26;
	v35 =	vld [tilespmem:s23+$0xFFFFFD40];
	v37 =	vmul.f32 v46, v17  }
0x107: {  	v25 =	vadd.f32 v36, v25;
	v28 =	vadd.f32 v33, v28;
	v39 =	vld [tilespmem:s23+$0xFFFFFD50];
	v33 =	vmul.f32 v38, v21  }
0x108: {  	v30 =	vadd.f32 v34, v30;
	v31 =	vadd.f32 v32, v31;
	v36 =	vmul.f32 v42, v1;
	v38 =	vld [tilespmem:s23+$0xFFFFFD60]  }
0x109: {  	v27 =	vadd.f32 v37, v27;
	v32 =	vmul.f32 v40, v2;
	v34 =	vld [tilespmem:s23+$0xFFFFFD70];
	v29 =	vadd.f32 v33, v29  }
0x10a: {  	v24 =	vadd.f32 v26, v24;
	v25 =	vadd.f32 v28, v25;
	v33 =	vmul.f32 v41, v3;
	v37 =	vld [tilespmem:s23+$0xFFFFFD80]  }
0x10b: {  	s21 =	sadd.s32 $0x20, s21;
	v30 =	vadd.f32 v31, v30;
	v28 =	vmul.f32 v35, v4;
	v26 =	vld [tilespmem:s23+$0xFFFFFD90];
	v27 =	vadd.f32 v29, v27  }
0x10c: {  	v29 =	vmul.f32 v39, v5;
	v31 =	vld [tilespmem:s21+$0x0]  }
0x10d: {  	v24 =	vadd.f32 v25, v24;
	v35 =	vmul.f32 v38, v6;
	v38 =	vld [tilespmem:s23+$0xFFFFFDA0];
	v25 =	vadd.f32 v27, v30  }
0x10e: {  	v30 =	vmul.f32 v34, v7;
	v27 =	vld [tilespmem:s23+$0xFFFFFDB0]  }
0x10f: {  	v34 =	vmul.f32 v37, v8;
	v37 =	vld [tilespmem:s23+$0xFFFFFDC0];
	v24 =	vadd.f32 v25, v24  }
0x110: {  	v25 =	vmul.f32 v26, v9;
	v39 =	vld [tilespmem:s23+$0xFFFFFDD0]  }
0x111: {  	v40 =	vld [tilespmem:s23+$0xFFFFFDE0];
	v24 =	vadd.f32 v24, v31  }
0x112: {  	v36 =	vadd.f32 v25, v36;
	v25 =	vmul.f32 v38, v10;
	v31 =	vld [tilespmem:s23+$0xFFFFFDF0]  }
0x113: {  	v38 =	vld [tilespmem:s23+$0xFFFFFD00];
	v27 =	vmul.f32 v27, v11;
	[tilespmem:s21+$0x0] =	vst v24  }
0x114: {  	v26 =	vadd.f32 v25, v32;
	v24 =	vmul.f32 v37, v12;
	v32 =	vld [tilespmem:s23+$0xFFFFFE00]  }
0x115: {  	v27 =	vadd.f32 v27, v33;
	v33 =	vmul.f32 v39, v13;
	v37 =	vld [tilespmem:s23+$0xFFFFFE10]  }
0x116: {  	v25 =	vadd.f32 v24, v28;
	v24 =	vmul.f32 v40, v14;
	v39 =	vld [tilespmem:s23+$0xFFFFFE20]  }
0x117: {  	v28 =	vadd.f32 v33, v29;
	v33 =	vmul.f32 v31, v15;
	v40 =	vld [tilespmem:s23+$0xFFFFFE30]  }
.Ltmp3:
0x118: {  	v38 =	vmul.f32 v38, v0;
	v29 =	vadd.f32 v24, v35;
	v31 =	vld [tilespmem:s23+$0xFFFFFE40];
	(pc) =	sbr.rel @p0 .LBB2_5-.Ltmp3, $4  }
0x119: {  	v30 =	vadd.f32 v33, v30;
	v24 =	vmul.f32 v32, v16;
	v32 =	vld [tilespmem:s23+$0xFFFFFE50]  }
0x11a: {  	v35 =	vadd.f32 v34, v38;
	v38 =	vmul.f32 v37, v18;
	v33 =	vld [tilespmem:s23+$0xFFFFFE60]  }
0x11b: {  	v37 =	vmul.f32 v39, v22;
	v34 =	vld [tilespmem:s23+$0xFFFFFE70]  }
0x11c: {  	s23 =	sadd.s32 $0x600, s23;
	v35 =	vadd.f32 v24, v35;
	v36 =	vadd.f32 v38, v36;
	v38 =	vmul.f32 v40, v23;
	v24 =	vld [tilespmem:s21+$0xFFFFFFF0]  }
0x11d: {  	_ =	sdelay $0x1  }
0x11e: {  	v0 =	vadd.f32 v37, v26;
	v1 =	vmul.f32 v31, v19;
	v2 =	vmul.f32 v32, v20  }
0x11f: {  	v3 =	vadd.f32 v38, v27;
	v4 =	vmul.f32 v33, v17;
	v5 =	vmul.f32 v34, v21  }
0x120: {  	v1 =	vadd.f32 v1, v25;
	v2 =	vadd.f32 v2, v28  }
0x121: {  	v4 =	vadd.f32 v4, v29;
	v5 =	vadd.f32 v5, v30  }
0x122: {  	v6 =	vadd.f32 v36, v35;
	v0 =	vadd.f32 v3, v0  }
0x123: {  	v1 =	vadd.f32 v2, v1;
	v2 =	vadd.f32 v5, v4;
	_ =	sdelay $0x1  }
0x124: {  	v0 =	vadd.f32 v0, v6;
	v1 =	vadd.f32 v2, v1;
	_ =	sdelay $0x1  }
0x125: {  	p0 =	seq.s32 s19, $0x5;
	v0 =	vadd.f32 v1, v0  }
0x126: {  	s22 =	sadd.s32 @!p0 s20, s7  }
0x127: {  	s22 =	smul.u32 @!p0 $0x60, s22;
	v0 =	vadd.f32 v0, v24;
	_ =	sdelay $0x1  }
0x128: {  	[tilespmem:s21+$0xFFFFFFF0] =	vst v0;
	s21 =	sadd.s32 @!p0 s4, s22;
	s22 =	simm.s32 @!p0 $0x0  }
0x129: {  	[tilespmem:s22], [sflag:$0x1] =	stream.linear.gather @!p0 [hbm4b:s21+s22], $0xC000, $0x38;
	[tilespmem:$0x1B300] =	vst v63  }
0x12a: {  	_ =	swait.ge [sflag:s14], $0xC000  }
0x12b: {  	[sflag:s14] =	ssyncset.done $0x0  }
0x12c: {  	[sflag:s14] =	ssyncadd.s32 $0xFFFF4000  }
0x12d: {  	v0 =	vld [tilespmem:$0x18000]  }
0x12e: {  	v1 =	vld [tilespmem:$0x18010]  }
0x12f: {  	v2 =	vld [tilespmem:$0x18020]  }
0x130: {  	v3 =	vld [tilespmem:$0x18030]  }
0x131: {  	v4 =	vld [tilespmem:$0x18040]  }
0x132: {  	v5 =	vld [tilespmem:$0x18050]  }
0x133: {  	v6 =	vld [tilespmem:$0x18060]  }
0x134: {  	v7 =	vld [tilespmem:$0x18070]  }
0x135: {  	v8 =	vld [tilespmem:$0x18080]  }
0x136: {  	v9 =	vld [tilespmem:$0x18090]  }
0x137: {  	v10 =	vld [tilespmem:$0x180A0]  }
0x138: {  	v11 =	vld [tilespmem:$0x180B0]  }
0x139: {  	v12 =	vld [tilespmem:$0x180C0]  }
0x13a: {  	v13 =	vld [tilespmem:$0x180D0]  }
0x13b: {  	v15 =	vld [tilespmem:$0x180E0]  }
0x13c: {  	v19 =	vld [tilespmem:$0x180F0]  }
0x13d: {  	v21 =	vld [tilespmem:$0x18100]  }
0x13e: {  	v22 =	vld [tilespmem:$0x18110]  }
0x13f: {  	v23 =	vld [tilespmem:$0x18120]  }
0x140: {  	v20 =	vld [tilespmem:$0x18130]  }
0x141: {  	v16 =	vld [tilespmem:$0x18140]  }
0x142: {  	v17 =	vld [tilespmem:$0x18150]  }
0x143: {  	v14 =	vld [tilespmem:$0x18160]  }
0x144: {  	s31 =	simm.s32 $0xC300;
	v18 =	vld [tilespmem:$0x18170]  }
0x145: {  	v24 =	vld [tilespmem:s31+$0x100]  }
0x146: {  	v25 =	vld [tilespmem:s31+$0x110]  }
0x147: {  	v26 =	vld [tilespmem:s31+$0x120]  }
0x148: {  	v27 =	vld [tilespmem:s31+$0x130]  }
0x149: {  	v28 =	vld [tilespmem:s31+$0x0]  }
0x14a: {  	v29 =	vld [tilespmem:s31+$0x10]  }
0x14b: {  	v30 =	vld [tilespmem:s31+$0x20]  }
0x14c: {  	v31 =	vld [tilespmem:s31+$0x30]  }
0x14d: {  	v60 =	vld [tilespmem:s31+$0x40]  }
0x14e: {  	v61 =	vld [tilespmem:s31+$0x50]  }
0x14f: {  	v62 =	vld [tilespmem:s31+$0x60]  }
0x150: {  	v63 =	vld [tilespmem:s31+$0x70]  }
0x151: {  	v52 =	vld [tilespmem:s31+$0x80]  }
0x152: {  	v53 =	vld [tilespmem:s31+$0x90]  }
0x153: {  	v54 =	vld [tilespmem:s31+$0xA0]  }
0x154: {  	v39 =	vld [tilespmem:s31+$0xB0]  }
0x155: {  	v40 =	vld [tilespmem:s31+$0xC0]  }
0x156: {  	v41 =	vld [tilespmem:s31+$0xD0]  }
0x157: {  	v42 =	vld [tilespmem:s31+$0xE0]  }
0x158: {  	v43 =	vld [tilespmem:s31+$0xF0];
	v28 =	vmul.f32 v28, v0;
	v29 =	vmul.f32 v29, v1  }
0x159: {  	v44 =	vld [tilespmem:s31+$0x140];
	v30 =	vmul.f32 v30, v2;
	v36 =	vmul.f32 v52, v8  }
0x15a: {  	v45 =	vld [tilespmem:s31+$0x150];
	v31 =	vmul.f32 v31, v3;
	v37 =	vmul.f32 v53, v9  }
0x15b: {  	v46 =	vld [tilespmem:s31+$0x160];
	v32 =	vmul.f32 v60, v4;
	v38 =	vmul.f32 v54, v10  }
0x15c: {  	v47 =	vld [tilespmem:s31+$0x170];
	v33 =	vmul.f32 v61, v5;
	v39 =	vmul.f32 v39, v11  }
0x15d: {  	v48 =	vld [tilespmem:s31+$0xFFFFFD10];
	v34 =	vmul.f32 v62, v6;
	v40 =	vmul.f32 v40, v12  }
0x15e: {  	v55 =	vld [tilespmem:s31+$0xFFFFFD20];
	v35 =	vmul.f32 v63, v7;
	v41 =	vmul.f32 v41, v13  }
0x15f: {  	v56 =	vld [tilespmem:s31+$0xFFFFFD30];
	v42 =	vmul.f32 v42, v15;
	v43 =	vmul.f32 v43, v19  }
0x160: {  	v57 =	vld [tilespmem:s31+$0xFFFFFD40];
	v24 =	vmul.f32 v24, v21;
	v25 =	vmul.f32 v25, v22  }
0x161: {  	v58 =	vld [tilespmem:s31+$0xFFFFFD50];
	v26 =	vmul.f32 v26, v23;
	v27 =	vmul.f32 v27, v20  }
0x162: {  	v59 =	vld [tilespmem:s31+$0xFFFFFD60];
	v62 =	vmul.f32 v45, v17;
	v28 =	vadd.f32 v36, v28;
	v29 =	vadd.f32 v37, v29  }
0x163: {  	v49 =	vld [tilespmem:s31+$0xFFFFFDB0];
	v63 =	vmul.f32 v46, v14;
	v30 =	vadd.f32 v38, v30;
	v31 =	vadd.f32 v39, v31  }
0x164: {  	v60 =	vld [tilespmem:s31+$0xFFFFFD70];
	v50 =	vmul.f32 v48, v1;
	v32 =	vadd.f32 v40, v32;
	v33 =	vadd.f32 v41, v33  }
0x165: {  	v61 =	vld [tilespmem:s31+$0xFFFFFD80];
	v34 =	vadd.f32 v42, v34;
	v35 =	vadd.f32 v43, v35;
	v36 =	vmul.f32 v55, v2  }
0x166: {  	v52 =	vld [tilespmem:s31+$0xFFFFFDC0];
	v24 =	vadd.f32 v24, v28;
	v25 =	vadd.f32 v25, v29;
	v29 =	vmul.f32 v44, v16  }
0x167: {  	v54 =	vld [tilespmem:s31+$0xFFFFFDF0];
	v26 =	vadd.f32 v26, v30;
	v27 =	vadd.f32 v27, v31;
	v31 =	vmul.f32 v47, v18  }
0x168: {  	v37 =	vmul.f32 v56, v3;
	v28 =	vld [tilespmem:s31+$0xFFFFFD90];
	v51 =	vadd.f32 v62, v33;
	v34 =	vadd.f32 v63, v34  }
0x169: {  	v38 =	vmul.f32 v57, v4;
	v30 =	vld [tilespmem:s31+$0xFFFFFDA0];
	v29 =	vadd.f32 v29, v32;
	v31 =	vadd.f32 v31, v35  }
0x16a: {  	v55 =	vmul.f32 v58, v5;
	v57 =	vld [tilespmem:s31+$0xFFFFFD00];
	v24 =	vadd.f32 v25, v24;
	v25 =	vadd.f32 v27, v26  }
0x16b: {  	v53 =	vld [tilespmem:s31+$0xFFFFFDD0];
	v56 =	vmul.f32 v59, v6;
	v26 =	vadd.f32 v51, v29;
	v29 =	vadd.f32 v31, v34  }
0x16c: {  	v59 =	vld [tilespmem:s31+$0xFFFFFE10];
	v41 =	vmul.f32 v60, v7;
	v42 =	vmul.f32 v61, v8  }
0x16d: {  	v27 =	vld [tilespmem:s31+$0xFFFFFDE0];
	v24 =	vadd.f32 v25, v24;
	v25 =	vadd.f32 v29, v26;
	v26 =	vmul.f32 v28, v9  }
0x16e: {  	v58 =	vld [tilespmem:s31+$0xFFFFFE00];
	v62 =	vmul.f32 v54, v19;
	v28 =	vmul.f32 v30, v10  }
0x16f: {  	v61 =	vld [tilespmem:s31+$0xFFFFFE20];
	v63 =	vmul.f32 v57, v0;
	v60 =	vadd.f32 v25, v24;
	v24 =	vadd.f32 v26, v50  }
0x170: {  	v31 =	vld [tilespmem:s31+$0xFFFFFE30];
	v26 =	vmul.f32 v49, v11;
	v25 =	vadd.f32 v28, v36;
	v28 =	vmul.f32 v52, v12  }
0x171: {  	v32 =	vld [tilespmem:s31+$0xFFFFFE40];
	v39 =	vmul.f32 v59, v22;
	v29 =	vmul.f32 v53, v13  }
0x172: {  	v33 =	vld [tilespmem:s31+$0xFFFFFE50];
	v30 =	vmul.f32 v27, v15;
	v26 =	vadd.f32 v26, v37;
	v27 =	vadd.f32 v28, v38  }
0x173: {  	v34 =	vld [tilespmem:s31+$0xFFFFFE60];
	v36 =	vmul.f32 v58, v21;
	v28 =	vadd.f32 v29, v55;
	v38 =	vadd.f32 v42, v63  }
0x174: {  	s23 =	simm.s32 $0xC900;
	s22 =	simm.s32 $0x0;
	s21 =	smov.u32 s18;
	v35 =	vld [tilespmem:s31+$0xFFFFFE70];
	v29 =	vadd.f32 v30, v56;
	v30 =	vadd.f32 v62, v41;
	[tilespmem:s18+$0x0] =	vst v60;
	v37 =	vmul.f32 v61, v23  }
.LBB2_7:
0x175: {  	v40 =	vld [tilespmem:s23+$0x100];
	v36 =	vadd.f32 v36, v38;
	v24 =	vadd.f32 v39, v24;
	v31 =	vmul.f32 v31, v20  }
0x176: {  	v38 =	vld [tilespmem:s23+$0x110];
	v25 =	vadd.f32 v37, v25;
	v32 =	vmul.f32 v32, v16  }
0x177: {  	v37 =	vld [tilespmem:s23+$0x120];
	v26 =	vadd.f32 v31, v26;
	v31 =	vmul.f32 v33, v17;
	v24 =	vadd.f32 v24, v36  }
0x178: {  	v33 =	vld [tilespmem:s23+$0x130];
	v27 =	vadd.f32 v32, v27;
	v32 =	vmul.f32 v34, v14  }
0x179: {  	v34 =	vld [tilespmem:s23+$0x0];
	v28 =	vadd.f32 v31, v28;
	v31 =	vmul.f32 v35, v18;
	v25 =	vadd.f32 v26, v25  }
0x17a: {  	v26 =	vld [tilespmem:s23+$0x10];
	v29 =	vadd.f32 v32, v29  }
0x17b: {  	v32 =	vld [tilespmem:s23+$0x20];
	v30 =	vadd.f32 v31, v30;
	v27 =	vadd.f32 v28, v27  }
0x17c: {  	v24 =	vadd.f32 v25, v24;
	v28 =	vld [tilespmem:s23+$0x30]  }
0x17d: {  	v25 =	vld [tilespmem:s23+$0x40];
	v29 =	vadd.f32 v30, v29  }
0x17e: {  	v30 =	vld [tilespmem:s23+$0x50]  }
0x17f: {  	v31 =	vld [tilespmem:s23+$0x60];
	v27 =	vadd.f32 v29, v27  }
0x180: {  	v29 =	vld [tilespmem:s23+$0x70]  }
0x181: {  	v35 =	vld [tilespmem:s23+$0x80];
	v24 =	vadd.f32 v27, v24  }
0x182: {  	v27 =	vld [tilespmem:s23+$0x90]  }
0x183: {  	v39 =	vmul.f32 v40, v21;
	v38 =	vmul.f32 v38, v22;
	v36 =	vld [tilespmem:s23+$0xA0];
	[tilespmem:s21+$0xFFFFFFF0] =	vst v24  }
0x184: {  	v37 =	vmul.f32 v37, v23;
	v33 =	vmul.f32 v33, v20;
	v24 =	vld [tilespmem:s23+$0xB0]  }
0x185: {  	v34 =	vmul.f32 v34, v0;
	v26 =	vmul.f32 v26, v1;
	v40 =	vld [tilespmem:s23+$0xC0]  }
0x186: {  	v32 =	vmul.f32 v32, v2;
	v28 =	vmul.f32 v28, v3;
	v41 =	vld [tilespmem:s23+$0xD0]  }
0x187: {  	v25 =	vmul.f32 v25, v4;
	v30 =	vmul.f32 v30, v5;
	v42 =	vld [tilespmem:s23+$0xE0]  }
0x188: {  	v31 =	vmul.f32 v31, v6;
	v29 =	vmul.f32 v29, v7;
	v43 =	vld [tilespmem:s23+$0xF0]  }
0x189: {  	v35 =	vmul.f32 v35, v8;
	v27 =	vmul.f32 v27, v9;
	v44 =	vld [tilespmem:s23+$0x140]  }
0x18a: {  	s22 =	sadd.s32 $0x2, s22;
	v36 =	vmul.f32 v36, v10;
	v24 =	vmul.f32 v24, v11;
	v45 =	vld [tilespmem:s23+$0x150]  }
0x18b: {  	p1 =	slt.u32 s22, $0x3E;
	v40 =	vmul.f32 v40, v12;
	v41 =	vmul.f32 v41, v13;
	v46 =	vld [tilespmem:s23+$0x160]  }
0x18c: {  	v34 =	vadd.f32 v35, v34;
	v26 =	vadd.f32 v27, v26;
	v27 =	vmul.f32 v42, v15;
	v35 =	vld [tilespmem:s23+$0x170]  }
0x18d: {  	v32 =	vadd.f32 v36, v32;
	v24 =	vadd.f32 v24, v28;
	v42 =	vld [tilespmem:s23+$0xFFFFFD10];
	v28 =	vmul.f32 v43, v19  }
0x18e: {  	v25 =	vadd.f32 v40, v25;
	v30 =	vadd.f32 v41, v30;
	v36 =	vld [tilespmem:s23+$0xFFFFFD20];
	v40 =	vmul.f32 v44, v16  }
0x18f: {  	v27 =	vadd.f32 v27, v31;
	v41 =	vld [tilespmem:s23+$0xFFFFFD30];
	v28 =	vadd.f32 v28, v29;
	v29 =	vmul.f32 v45, v17  }
0x190: {  	v34 =	vadd.f32 v39, v34;
	v26 =	vadd.f32 v38, v26;
	v31 =	vld [tilespmem:s23+$0xFFFFFD40];
	v38 =	vmul.f32 v46, v14  }
0x191: {  	v32 =	vadd.f32 v37, v32;
	v24 =	vadd.f32 v33, v24;
	v39 =	vld [tilespmem:s23+$0xFFFFFD50];
	v33 =	vmul.f32 v35, v18  }
0x192: {  	v25 =	vadd.f32 v40, v25;
	v29 =	vadd.f32 v29, v30;
	v35 =	vmul.f32 v42, v1;
	v37 =	vld [tilespmem:s23+$0xFFFFFD60]  }
0x193: {  	v27 =	vadd.f32 v38, v27;
	v30 =	vmul.f32 v36, v2;
	v36 =	vld [tilespmem:s23+$0xFFFFFD70];
	v28 =	vadd.f32 v33, v28  }
0x194: {  	v26 =	vadd.f32 v26, v34;
	v24 =	vadd.f32 v24, v32;
	v33 =	vmul.f32 v41, v3;
	v38 =	vld [tilespmem:s23+$0xFFFFFD80]  }
0x195: {  	v25 =	vadd.f32 v29, v25;
	v31 =	vmul.f32 v31, v4;
	v32 =	vld [tilespmem:s23+$0xFFFFFD90];
	v27 =	vadd.f32 v28, v27  }
0x196: {  	v28 =	vmul.f32 v39, v5;
	v29 =	vld [tilespmem:s23+$0xFFFFFDA0]  }
0x197: {  	v24 =	vadd.f32 v24, v26;
	v34 =	vmul.f32 v37, v6;
	v37 =	vld [tilespmem:s23+$0xFFFFFDB0];
	v25 =	vadd.f32 v27, v25  }
0x198: {  	v36 =	vmul.f32 v36, v7;
	v26 =	vld [tilespmem:s23+$0xFFFFFDC0]  }
0x199: {  	v38 =	vmul.f32 v38, v8;
	v27 =	vld [tilespmem:s23+$0xFFFFFDD0];
	v24 =	vadd.f32 v25, v24  }
0x19a: {  	s21 =	sadd.s32 $0x20, s21;
	v25 =	vmul.f32 v32, v9;
	v32 =	vld [tilespmem:s23+$0xFFFFFDE0]  }
0x19b: {  	v29 =	vmul.f32 v29, v10;
	v39 =	vld [tilespmem:s23+$0xFFFFFDF0];
	[tilespmem:s21+$0x0] =	vst v24  }
0x19c: {  	v40 =	vld [tilespmem:s23+$0xFFFFFD00];
	v24 =	vadd.f32 v25, v35;
	v35 =	vmul.f32 v37, v11  }
0x19d: {  	v25 =	vadd.f32 v29, v30;
	v29 =	vmul.f32 v26, v12;
	v37 =	vld [tilespmem:s23+$0xFFFFFE00]  }
0x19e: {  	v26 =	vadd.f32 v35, v33;
	v30 =	vmul.f32 v27, v13;
	v35 =	vld [tilespmem:s23+$0xFFFFFE10]  }
0x19f: {  	v27 =	vadd.f32 v29, v31;
	v29 =	vmul.f32 v32, v15;
	v41 =	vld [tilespmem:s23+$0xFFFFFE20]  }
.Ltmp4:
0x1a0: {  	v28 =	vadd.f32 v30, v28;
	v30 =	vmul.f32 v39, v19;
	v31 =	vld [tilespmem:s23+$0xFFFFFE30];
	(pc) =	sbr.rel @p1 .LBB2_7-.Ltmp4, $4  }
0x1a1: {  	v39 =	vmul.f32 v40, v0;
	v29 =	vadd.f32 v29, v34;
	v32 =	vld [tilespmem:s23+$0xFFFFFE40]  }
0x1a2: {  	v30 =	vadd.f32 v30, v36;
	v36 =	vmul.f32 v37, v21;
	v33 =	vld [tilespmem:s23+$0xFFFFFE50]  }
0x1a3: {  	v38 =	vadd.f32 v38, v39;
	v39 =	vmul.f32 v35, v22;
	v34 =	vld [tilespmem:s23+$0xFFFFFE60]  }
0x1a4: {  	v37 =	vmul.f32 v41, v23;
	v35 =	vld [tilespmem:s23+$0xFFFFFE70];
	s23 =	sadd.s32 $0x600, s23  }
0x1a5: {  	_ =	sdelay $0x1  }
0x1a6: {  	v0 =	vadd.f32 v36, v38;
	v1 =	vadd.f32 v39, v24;
	v2 =	vmul.f32 v31, v20  }
0x1a7: {  	v3 =	vadd.f32 v37, v25;
	v4 =	vmul.f32 v32, v16;
	v5 =	vmul.f32 v33, v17  }
0x1a8: {  	v2 =	vadd.f32 v2, v26;
	v6 =	vmul.f32 v34, v14;
	v7 =	vmul.f32 v35, v18  }
0x1a9: {  	v4 =	vadd.f32 v4, v27;
	v5 =	vadd.f32 v5, v28  }
0x1aa: {  	v6 =	vadd.f32 v6, v29;
	v7 =	vadd.f32 v7, v30  }
0x1ab: {  	v0 =	vadd.f32 v1, v0;
	v1 =	vadd.f32 v2, v3  }
0x1ac: {  	v2 =	vadd.f32 v5, v4;
	v3 =	vadd.f32 v7, v6;
	_ =	sdelay $0x1  }
0x1ad: {  	v0 =	vadd.f32 v1, v0;
	v1 =	vadd.f32 v3, v2;
	_ =	sdelay $0x1  }
0x1ae: {  	v0 =	vadd.f32 v1, v0;
	_ =	sdelay $0x1  }
0x1af: {  	[tilespmem:s21+$0xFFFFFFF0] =	vst v0  }
0x1b0: {  	v0 =	vld [tilespmem:$0x18180]  }
0x1b1: {  	v1 =	vld [tilespmem:$0x18190]  }
0x1b2: {  	v2 =	vld [tilespmem:$0x181A0]  }
0x1b3: {  	v3 =	vld [tilespmem:$0x181B0]  }
0x1b4: {  	v4 =	vld [tilespmem:$0x181C0]  }
0x1b5: {  	v5 =	vld [tilespmem:$0x181D0]  }
0x1b6: {  	v6 =	vld [tilespmem:$0x181E0]  }
0x1b7: {  	v7 =	vld [tilespmem:$0x181F0]  }
0x1b8: {  	v8 =	vld [tilespmem:$0x18200]  }
0x1b9: {  	v9 =	vld [tilespmem:$0x18210]  }
0x1ba: {  	v10 =	vld [tilespmem:$0x18220]  }
0x1bb: {  	v11 =	vld [tilespmem:$0x18230]  }
0x1bc: {  	v12 =	vld [tilespmem:$0x18240]  }
0x1bd: {  	v13 =	vld [tilespmem:$0x18250]  }
0x1be: {  	v14 =	vld [tilespmem:$0x18260]  }
0x1bf: {  	v15 =	vld [tilespmem:$0x18270]  }
0x1c0: {  	v16 =	vld [tilespmem:$0x18280]  }
0x1c1: {  	v18 =	vld [tilespmem:$0x18290]  }
0x1c2: {  	v22 =	vld [tilespmem:$0x182A0]  }
0x1c3: {  	v23 =	vld [tilespmem:$0x182B0]  }
0x1c4: {  	v19 =	vld [tilespmem:$0x182C0]  }
0x1c5: {  	v20 =	vld [tilespmem:$0x182D0]  }
0x1c6: {  	v17 =	vld [tilespmem:$0x182E0]  }
0x1c7: {  	s31 =	simm.s32 $0xC480;
	v21 =	vld [tilespmem:$0x182F0]  }
0x1c8: {  	v24 =	vld [tilespmem:s31+$0x100]  }
0x1c9: {  	v25 =	vld [tilespmem:s31+$0x110]  }
0x1ca: {  	v26 =	vld [tilespmem:s31+$0x120]  }
0x1cb: {  	v27 =	vld [tilespmem:s31+$0x130]  }
0x1cc: {  	v28 =	vld [tilespmem:s31+$0x0]  }
0x1cd: {  	v29 =	vld [tilespmem:s31+$0x10]  }
0x1ce: {  	v30 =	vld [tilespmem:s31+$0x20]  }
0x1cf: {  	v31 =	vld [tilespmem:s31+$0x30]  }
0x1d0: {  	v59 =	vld [tilespmem:s31+$0x40]  }
0x1d1: {  	v60 =	vld [tilespmem:s31+$0x50]  }
0x1d2: {  	v61 =	vld [tilespmem:s31+$0x60]  }
0x1d3: {  	v62 =	vld [tilespmem:s31+$0x70]  }
0x1d4: {  	v63 =	vld [tilespmem:s31+$0x80]  }
0x1d5: {  	v48 =	vld [tilespmem:s31+$0x90]  }
0x1d6: {  	v49 =	vld [tilespmem:s31+$0xA0]  }
0x1d7: {  	v50 =	vld [tilespmem:s31+$0xB0]  }
0x1d8: {  	v40 =	vld [tilespmem:s31+$0xC0]  }
0x1d9: {  	v41 =	vld [tilespmem:s31+$0xD0]  }
0x1da: {  	v42 =	vld [tilespmem:s31+$0xE0]  }
0x1db: {  	v43 =	vld [tilespmem:s31+$0xF0];
	v28 =	vmul.f32 v28, v0;
	v29 =	vmul.f32 v29, v1  }
0x1dc: {  	v44 =	vld [tilespmem:s31+$0x140];
	v30 =	vmul.f32 v30, v2;
	v36 =	vmul.f32 v63, v8  }
0x1dd: {  	v45 =	vld [tilespmem:s31+$0x150];
	v31 =	vmul.f32 v31, v3;
	v37 =	vmul.f32 v48, v9  }
0x1de: {  	v46 =	vld [tilespmem:s31+$0x160];
	v32 =	vmul.f32 v59, v4;
	v38 =	vmul.f32 v49, v10  }
0x1df: {  	v47 =	vld [tilespmem:s31+$0x170];
	v33 =	vmul.f32 v60, v5;
	v39 =	vmul.f32 v50, v11  }
0x1e0: {  	v51 =	vld [tilespmem:s31+$0xFFFFFD10];
	v34 =	vmul.f32 v61, v6;
	v40 =	vmul.f32 v40, v12  }
0x1e1: {  	v52 =	vld [tilespmem:s31+$0xFFFFFD20];
	v41 =	vmul.f32 v41, v13;
	v42 =	vmul.f32 v42, v14  }
0x1e2: {  	v53 =	vld [tilespmem:s31+$0xFFFFFD30];
	v35 =	vmul.f32 v62, v7;
	v43 =	vmul.f32 v43, v15  }
0x1e3: {  	v54 =	vld [tilespmem:s31+$0xFFFFFD40];
	v24 =	vmul.f32 v24, v16;
	v25 =	vmul.f32 v25, v18  }
0x1e4: {  	v55 =	vld [tilespmem:s31+$0xFFFFFD50];
	v26 =	vmul.f32 v26, v22;
	v28 =	vadd.f32 v36, v28;
	v29 =	vadd.f32 v37, v29  }
0x1e5: {  	v56 =	vld [tilespmem:s31+$0xFFFFFD60];
	v27 =	vmul.f32 v27, v23;
	v30 =	vadd.f32 v38, v30;
	v31 =	vadd.f32 v39, v31  }
0x1e6: {  	v57 =	vld [tilespmem:s31+$0xFFFFFD70];
	v58 =	vmul.f32 v44, v19;
	v32 =	vadd.f32 v40, v32;
	v33 =	vadd.f32 v41, v33  }
0x1e7: {  	v59 =	vmul.f32 v45, v20;
	v60 =	vld [tilespmem:s31+$0xFFFFFD90];
	v34 =	vadd.f32 v42, v34;
	v35 =	vadd.f32 v43, v35  }
0x1e8: {  	v61 =	vld [tilespmem:s31+$0xFFFFFDA0];
	v24 =	vadd.f32 v24, v28;
	v25 =	vadd.f32 v25, v29;
	v29 =	vmul.f32 v46, v17  }
0x1e9: {  	v62 =	vld [tilespmem:s31+$0xFFFFFDB0];
	v26 =	vadd.f32 v26, v30;
	v27 =	vadd.f32 v27, v31;
	v30 =	vmul.f32 v47, v21  }
0x1ea: {  	v49 =	vld [tilespmem:s31+$0xFFFFFDE0];
	v32 =	vadd.f32 v58, v32;
	v33 =	vadd.f32 v59, v33  }
0x1eb: {  	v48 =	vmul.f32 v53, v3;
	v53 =	vld [tilespmem:s31+$0xFFFFFD00];
	v29 =	vadd.f32 v29, v34;
	v30 =	vadd.f32 v30, v35  }
0x1ec: {  	v28 =	vld [tilespmem:s31+$0xFFFFFD80];
	v24 =	vadd.f32 v25, v24;
	v25 =	vadd.f32 v27, v26  }
0x1ed: {  	v31 =	vld [tilespmem:s18+$0x0];
	v32 =	vadd.f32 v33, v32;
	v29 =	vadd.f32 v30, v29  }
0x1ee: {  	v63 =	vmul.f32 v52, v2;
	v50 =	vmul.f32 v54, v4;
	v26 =	vld [tilespmem:s31+$0xFFFFFDC0]  }
0x1ef: {  	v52 =	vmul.f32 v56, v6;
	v30 =	vld [tilespmem:s31+$0xFFFFFDD0];
	v24 =	vadd.f32 v25, v24;
	v25 =	vadd.f32 v29, v32  }
0x1f0: {  	v54 =	vmul.f32 v57, v7;
	v57 =	vld [tilespmem:s31+$0xFFFFFE10];
	v56 =	vmul.f32 v61, v10  }
0x1f1: {  	v27 =	vmul.f32 v51, v1;
	v51 =	vmul.f32 v55, v5;
	v29 =	vld [tilespmem:s31+$0xFFFFFDF0];
	v24 =	vadd.f32 v25, v24  }
0x1f2: {  	v55 =	vmul.f32 v28, v8;
	v28 =	vmul.f32 v60, v9;
	v25 =	vld [tilespmem:s31+$0xFFFFFE00]  }
0x1f3: {  	v59 =	vld [tilespmem:s31+$0xFFFFFE20];
	v58 =	vadd.f32 v24, v31;
	v24 =	vmul.f32 v62, v11;
	v31 =	vmul.f32 v26, v12  }
0x1f4: {  	v61 =	vmul.f32 v49, v14;
	v60 =	vld [tilespmem:s31+$0xFFFFFE30];
	v45 =	vadd.f32 v28, v27;
	v28 =	vmul.f32 v30, v13  }
0x1f5: {  	v30 =	vmul.f32 v53, v0;
	v27 =	vadd.f32 v24, v48;
	v24 =	vadd.f32 v31, v50;
	v31 =	vld [tilespmem:s31+$0xFFFFFE40]  }
0x1f6: {  	v32 =	vld [tilespmem:s31+$0xFFFFFE50];
	v26 =	vadd.f32 v56, v63;
	v63 =	vmul.f32 v57, v18;
	v28 =	vadd.f32 v28, v51  }
0x1f7: {  	v33 =	vld [tilespmem:s31+$0xFFFFFE60];
	v62 =	vmul.f32 v29, v15;
	v39 =	vadd.f32 v55, v30;
	v25 =	vmul.f32 v25, v16  }
0x1f8: {  	v34 =	vld [tilespmem:s31+$0xFFFFFE70];
	v37 =	vmul.f32 v59, v22;
	v29 =	vadd.f32 v61, v52;
	v36 =	vadd.f32 v63, v45  }
0x1f9: {  	s22 =	simm.s32 $0x0;
	s23 =	simm.s32 $0xCA80;
	s21 =	smov.u32 s18;
	v38 =	vmul.f32 v60, v23;
	[tilespmem:s18+$0x0] =	vst v58;
	v30 =	vadd.f32 v62, v54;
	v35 =	vadd.f32 v25, v39;
	v25 =	vld [tilespmem:s18+$0xFFFFFFF0]  }
.LBB2_9:
0x1fa: {  	v39 =	vld [tilespmem:s23+$0x100];
	v26 =	vadd.f32 v37, v26;
	v31 =	vmul.f32 v31, v19  }
0x1fb: {  	v37 =	vld [tilespmem:s23+$0x110];
	v27 =	vadd.f32 v38, v27;
	v32 =	vmul.f32 v32, v20;
	v35 =	vadd.f32 v36, v35  }
0x1fc: {  	v36 =	vld [tilespmem:s23+$0x120];
	v24 =	vadd.f32 v31, v24;
	v31 =	vmul.f32 v33, v17  }
0x1fd: {  	v33 =	vld [tilespmem:s23+$0x130];
	v28 =	vadd.f32 v32, v28;
	v32 =	vmul.f32 v34, v21;
	v26 =	vadd.f32 v27, v26  }
0x1fe: {  	v27 =	vld [tilespmem:s23+$0x0];
	v29 =	vadd.f32 v31, v29  }
0x1ff: {  	v31 =	vld [tilespmem:s23+$0x10];
	v30 =	vadd.f32 v32, v30;
	v24 =	vadd.f32 v28, v24  }
0x200: {  	v26 =	vadd.f32 v26, v35;
	v28 =	vld [tilespmem:s23+$0x20]  }
0x201: {  	v32 =	vld [tilespmem:s23+$0x30];
	v29 =	vadd.f32 v30, v29  }
0x202: {  	v30 =	vld [tilespmem:s23+$0x40]  }
0x203: {  	v34 =	vld [tilespmem:s23+$0x50];
	v24 =	vadd.f32 v29, v24  }
0x204: {  	v29 =	vld [tilespmem:s23+$0x60]  }
0x205: {  	v35 =	vld [tilespmem:s23+$0x70];
	v24 =	vadd.f32 v24, v26  }
0x206: {  	v26 =	vld [tilespmem:s23+$0x80]  }
0x207: {  	v38 =	vld [tilespmem:s23+$0x90];
	v24 =	vadd.f32 v24, v25  }
0x208: {  	v39 =	vmul.f32 v39, v16;
	v37 =	vmul.f32 v37, v18;
	v25 =	vld [tilespmem:s23+$0xA0]  }
0x209: {  	v36 =	vmul.f32 v36, v22;
	v33 =	vmul.f32 v33, v23;
	v40 =	vld [tilespmem:s23+$0xB0];
	[tilespmem:s21+$0xFFFFFFF0] =	vst v24  }
0x20a: {  	v24 =	vmul.f32 v27, v0;
	v27 =	vmul.f32 v31, v1;
	v31 =	vld [tilespmem:s23+$0xC0]  }
0x20b: {  	v28 =	vmul.f32 v28, v2;
	v32 =	vmul.f32 v32, v3;
	v41 =	vld [tilespmem:s23+$0xD0]  }
0x20c: {  	v30 =	vmul.f32 v30, v4;
	v34 =	vmul.f32 v34, v5;
	v42 =	vld [tilespmem:s23+$0xE0]  }
0x20d: {  	v29 =	vmul.f32 v29, v6;
	v35 =	vmul.f32 v35, v7;
	v43 =	vld [tilespmem:s23+$0xF0]  }
0x20e: {  	v26 =	vmul.f32 v26, v8;
	v38 =	vmul.f32 v38, v9;
	v44 =	vld [tilespmem:s23+$0x140]  }
0x20f: {  	s22 =	sadd.s32 $0x2, s22;
	v25 =	vmul.f32 v25, v10;
	v40 =	vmul.f32 v40, v11;
	v45 =	vld [tilespmem:s23+$0x150]  }
0x210: {  	p1 =	slt.u32 s22, $0x3E;
	v31 =	vmul.f32 v31, v12;
	v41 =	vmul.f32 v41, v13;
	v46 =	vld [tilespmem:s23+$0x160]  }
0x211: {  	v24 =	vadd.f32 v26, v24;
	v26 =	vadd.f32 v38, v27;
	v27 =	vmul.f32 v42, v14;
	v38 =	vld [tilespmem:s23+$0x170]  }
0x212: {  	v25 =	vadd.f32 v25, v28;
	v28 =	vadd.f32 v40, v32;
	v42 =	vld [tilespmem:s23+$0xFFFFFD10];
	v32 =	vmul.f32 v43, v15  }
0x213: {  	v30 =	vadd.f32 v31, v30;
	v31 =	vadd.f32 v41, v34;
	v40 =	vld [tilespmem:s23+$0xFFFFFD20];
	v34 =	vmul.f32 v44, v19  }
0x214: {  	v27 =	vadd.f32 v27, v29;
	v41 =	vld [tilespmem:s23+$0xFFFFFD30];
	v29 =	vadd.f32 v32, v35;
	v32 =	vmul.f32 v45, v20  }
0x215: {  	v24 =	vadd.f32 v39, v24;
	v26 =	vadd.f32 v37, v26;
	v35 =	vld [tilespmem:s23+$0xFFFFFD40];
	v37 =	vmul.f32 v46, v17  }
0x216: {  	v25 =	vadd.f32 v36, v25;
	v28 =	vadd.f32 v33, v28;
	v39 =	vld [tilespmem:s23+$0xFFFFFD50];
	v33 =	vmul.f32 v38, v21  }
0x217: {  	v30 =	vadd.f32 v34, v30;
	v31 =	vadd.f32 v32, v31;
	v36 =	vmul.f32 v42, v1;
	v38 =	vld [tilespmem:s23+$0xFFFFFD60]  }
0x218: {  	v27 =	vadd.f32 v37, v27;
	v32 =	vmul.f32 v40, v2;
	v34 =	vld [tilespmem:s23+$0xFFFFFD70];
	v29 =	vadd.f32 v33, v29  }
0x219: {  	v24 =	vadd.f32 v26, v24;
	v25 =	vadd.f32 v28, v25;
	v33 =	vmul.f32 v41, v3;
	v37 =	vld [tilespmem:s23+$0xFFFFFD80]  }
0x21a: {  	s21 =	sadd.s32 $0x20, s21;
	v30 =	vadd.f32 v31, v30;
	v28 =	vmul.f32 v35, v4;
	v26 =	vld [tilespmem:s23+$0xFFFFFD90];
	v27 =	vadd.f32 v29, v27  }
0x21b: {  	v29 =	vmul.f32 v39, v5;
	v31 =	vld [tilespmem:s21+$0x0]  }
0x21c: {  	v24 =	vadd.f32 v25, v24;
	v35 =	vmul.f32 v38, v6;
	v38 =	vld [tilespmem:s23+$0xFFFFFDA0];
	v25 =	vadd.f32 v27, v30  }
0x21d: {  	v30 =	vmul.f32 v34, v7;
	v27 =	vld [tilespmem:s23+$0xFFFFFDB0]  }
0x21e: {  	v34 =	vmul.f32 v37, v8;
	v37 =	vld [tilespmem:s23+$0xFFFFFDC0];
	v24 =	vadd.f32 v25, v24  }
0x21f: {  	v25 =	vmul.f32 v26, v9;
	v39 =	vld [tilespmem:s23+$0xFFFFFDD0]  }
0x220: {  	v40 =	vld [tilespmem:s23+$0xFFFFFDE0];
	v24 =	vadd.f32 v24, v31  }
0x221: {  	v25 =	vadd.f32 v25, v36;
	v26 =	vmul.f32 v38, v10;
	v31 =	vld [tilespmem:s23+$0xFFFFFDF0]  }
0x222: {  	v36 =	vld [tilespmem:s23+$0xFFFFFD00];
	v27 =	vmul.f32 v27, v11;
	[tilespmem:s21+$0x0] =	vst v24  }
0x223: {  	v26 =	vadd.f32 v26, v32;
	v24 =	vmul.f32 v37, v12;
	v32 =	vld [tilespmem:s23+$0xFFFFFE00]  }
0x224: {  	v27 =	vadd.f32 v27, v33;
	v33 =	vmul.f32 v39, v13;
	v37 =	vld [tilespmem:s23+$0xFFFFFE10]  }
0x225: {  	v24 =	vadd.f32 v24, v28;
	v38 =	vmul.f32 v40, v14;
	v39 =	vld [tilespmem:s23+$0xFFFFFE20]  }
0x226: {  	v28 =	vadd.f32 v33, v29;
	v33 =	vmul.f32 v31, v15;
	v40 =	vld [tilespmem:s23+$0xFFFFFE30]  }
.Ltmp5:
0x227: {  	v36 =	vmul.f32 v36, v0;
	v29 =	vadd.f32 v38, v35;
	v31 =	vld [tilespmem:s23+$0xFFFFFE40];
	(pc) =	sbr.rel @p1 .LBB2_9-.Ltmp5, $4  }
0x228: {  	v30 =	vadd.f32 v33, v30;
	v35 =	vmul.f32 v32, v16;
	v32 =	vld [tilespmem:s23+$0xFFFFFE50]  }
0x229: {  	v36 =	vadd.f32 v34, v36;
	v38 =	vmul.f32 v37, v18;
	v33 =	vld [tilespmem:s23+$0xFFFFFE60]  }
0x22a: {  	v37 =	vmul.f32 v39, v22;
	v34 =	vld [tilespmem:s23+$0xFFFFFE70]  }
0x22b: {  	s23 =	sadd.s32 $0x600, s23;
	v35 =	vadd.f32 v35, v36;
	v36 =	vadd.f32 v38, v25;
	v38 =	vmul.f32 v40, v23;
	v25 =	vld [tilespmem:s21+$0xFFFFFFF0]  }
0x22c: {  	_ =	sdelay $0x1  }
0x22d: {  	v0 =	vadd.f32 v37, v26;
	v1 =	vmul.f32 v31, v19;
	v2 =	vmul.f32 v32, v20  }
0x22e: {  	v3 =	vadd.f32 v38, v27;
	v4 =	vmul.f32 v33, v17;
	v5 =	vmul.f32 v34, v21  }
0x22f: {  	v1 =	vadd.f32 v1, v24;
	v2 =	vadd.f32 v2, v28  }
0x230: {  	v4 =	vadd.f32 v4, v29;
	v5 =	vadd.f32 v5, v30  }
0x231: {  	v6 =	vadd.f32 v36, v35;
	v0 =	vadd.f32 v3, v0  }
0x232: {  	v1 =	vadd.f32 v2, v1;
	v63 =	vadd.f32 v5, v4;
	_ =	sdelay $0x1  }
0x233: {  	v0 =	vadd.f32 v0, v6;
	v1 =	vadd.f32 v63, v1;
	_ =	sdelay $0x1  }
.Ltmp6:
0x234: {  	v0 =	vadd.f32 v1, v0;
	(pc) =	sbr.rel @p0 .LBB2_12-.Ltmp6, $3  }
0x235: {  	_ = 	snop  }
0x236: {  	v0 =	vadd.f32 v0, v25;
	_ =	sdelay $0x1  }
0x237: {  	[tilespmem:s21+$0xFFFFFFF0] =	vst v0  }
.Ltmp7:
0x238: {  	s20 =	sadd.s32 s20, s8;
	(pc) =	sbr.rel .LBB2_2-.Ltmp7, $4  }
0x239: {  	s20 =	smul.u32 $0x60, s20  }
0x23a: {  	s19 =	sadd.s32 $0x1, s19  }
0x23b: {  	s17 =	sadd.s32 $0x800, s17;
	s18 =	sadd.s32 $0x800, s18;
	s20 =	sadd.s32 s4, s20  }
0x23c: {  	[tilespmem:s13], [sflag:$0x1] =	stream.linear.gather [hbm4b:s20+s3], $0xC000, $0x38;
	[tilespmem:$0x1B300] =	vst v63  }
.LBB2_13:
0x23d: {  	_ =	sfence.sel $0x180000  }
0x23e: {  	[bflag:$0x0] =	sbarrier.arrive $0xFFFF  }
0x23f: {  	p0 =	sne.s32 s0, $0x0;
	_ =	strace $0x90000047  }
0x240: {  	s0 =	sadd.s32 @!p0 $0x100000, s1;
	[bflag:$0x2] =	sbarrier.arrive $0xFFFF  }
0x241: {  	[sflag:s0] =	ssyncadd.tile.s32 @!p0 $0x1;
	_ =	shalt  }
.Lfunc_end2:
_tile_overlayer_lowered:
.L_overlay_start_2:
0x242: {  	(tag) =	ssettag $0x2  }
0x243: {  	s0 =	rddreg [dreg:$0x0];
	s2 =	stileid.u32  }
0x244: {  	s1 =	rddreg [dreg:$0x1];
	p0 =	sne.s32 s2, $0x0  }
0x245: {  	s3 =	rddreg [dreg:$0x2];
	[bflag:$0x3] =	sbarrier.arrive $0xFFFF;
	s2 =	simm.s32 @!p0 $0x1C02  }
0x246: {  	[timem:s3], [sflag:s2] =	dma.local @!p0 [hbm:s0], s1  }
0x247: {  	s0 =	simm.s32 @!p0 $0x2  }
0x248: {  	_ =	swait.ge @!p0 [sflag:s0], s1  }
0x249: {  	s1 =	ssub.s32 @!p0 $0x0, s1;
	[sflag:s0] =	ssyncset.done @!p0 $0x0  }
0x24a: {  	[sflag:s0] =	ssyncadd.s32 @!p0 s1  }
0x24b: {  	[bflag:$0x3] =	sbarrier.arrive $0xFFFF  }
0x24c: {  	_ =	shalt  }

</sc_bundles>
